<compile_context>
chip_gen: v7x
topology: tpu7x:2x2x1
jax: 0.10.2.dev20260603
libtpu: 0.0.44.dev20260713+nightly
codegen_flags: <defaults>
</compile_context>

<pallas_src>
import functools

import jax
import jax.numpy as jnp
from jax import lax
from jax.experimental import pallas as pl
from jax.experimental.pallas import tpu as pltpu
from jax.experimental.pallas import tpu_sc as plsc

_BATCH = 4096
_SEQ = 200
_D = 64
_TOT = _BATCH * _SEQ
_NC, _NS = 2, 16
_NW = _NC * _NS
_PER_W = _TOT // _NW
_CH = 128
_NCHUNK = _PER_W // _CH
_NBUF = 6


def _make_gather():
    mesh = plsc.VectorSubcoreMesh(core_axis_name="c", subcore_axis_name="s")

    @functools.partial(
        pl.kernel,
        mesh=mesh,
        compiler_params=pltpu.CompilerParams(use_tc_tiling_on_sc=False),
        out_type=jax.ShapeDtypeStruct((_TOT, 2 * _D), jnp.float32),
        scratch_types=[
            pltpu.VMEM((_NCHUNK, _CH), jnp.int32),
            pltpu.VMEM((_NBUF, _CH, _D), jnp.float32),
            pltpu.SemaphoreType.DMA((_NBUF,)),
            pltpu.SemaphoreType.DMA((_NBUF,)),
        ],
    )
    def gather_kernel(idx_hbm, table_hbm, out_hbm, idx_v, rows_v, gsem, ssem):
        wid = lax.axis_index("s") * _NC + lax.axis_index("c")
        pltpu.sync_copy(idx_hbm.at[pl.ds(wid * _NCHUNK, _NCHUNK)], idx_v)
        out_base = wid * _PER_W

        def start_gather(g, slot):
            pltpu.async_copy(
                table_hbm.at[idx_v.at[g]], rows_v.at[slot], gsem.at[slot]
            )

        def gather_desc(slot):
            return pltpu.make_async_copy(
                table_hbm.at[idx_v.at[0]], rows_v.at[slot], gsem.at[slot]
            )

        def start_store(h, slot):
            pltpu.async_copy(
                rows_v.at[slot],
                out_hbm.at[pl.ds(out_base + h * _CH, _CH), pl.ds(0, _D)],
                ssem.at[slot],
            )

        def store_desc(slot):
            return pltpu.make_async_copy(
                rows_v.at[slot],
                out_hbm.at[pl.ds(out_base, _CH), pl.ds(0, _D)],
                ssem.at[slot],
            )

        _LAG = _NBUF - 1

        def body(g, carry):
            slot = lax.rem(g, _NBUF)

            @pl.when(g >= _NBUF)
            def _():
                store_desc(slot).wait()

            start_gather(g, slot)

            @pl.when(g >= _LAG)
            def _():
                h = g - _LAG
                hslot = lax.rem(h, _NBUF)
                gather_desc(hslot).wait()
                start_store(h, hslot)

            return carry

        lax.fori_loop(0, _NCHUNK, body, 0, unroll=2)

        for h in range(_NCHUNK - _LAG, _NCHUNK):
            slot = h % _NBUF
            gather_desc(slot).wait()
            start_store(h, slot)
        for h in range(_NCHUNK - _NBUF, _NCHUNK):
            store_desc(h % _NBUF).wait()

    return gather_kernel


_gather = _make_gather()


def kernel(input_ids, word_embeddings):
    ids = input_ids.reshape(_TOT // _CH, _CH).astype(jnp.int32)
    padded = _gather(ids, word_embeddings)
    return padded[:, :_D].reshape(_BATCH, _SEQ, _D)

# --- scband reference (transcript-rebuilt; emitter-appended) ---
"""Pipeline reference for scband-patched-embedding-72834055406042 (READ-ONLY COPY).

The authoritative reference and input builder live on the scoring server;
editing this copy changes nothing except your own understanding.
"""

import jax, jax.numpy as jnp
import numpy as np

NUM_EMBEDDINGS = 1000000
EMBED_DIM = 64
BATCH = 4096
SEQ = 200
FP32_RESIDUAL = False


def setup_inputs(seed: int = 0) -> dict:
    key = jax.random.key(seed)
    k_idx, k_tab = jax.random.split(key)
    input_ids = jax.random.randint(k_idx, (BATCH, SEQ), 0, NUM_EMBEDDINGS, dtype=jnp.int64 if jax.config.jax_enable_x64 else jnp.int32)
    word_embeddings = jax.random.normal(k_tab, (NUM_EMBEDDINGS, EMBED_DIM), dtype=jnp.float32) * 0.02
    return {"input_ids": input_ids, "word_embeddings": word_embeddings}


def reference(input_ids, word_embeddings):
    # words_embeddings = self.word_embeddings(input_ids)
    words_embeddings = jnp.take(word_embeddings, input_ids, axis=0)
    embeddings = words_embeddings
    if FP32_RESIDUAL:
        embeddings = embeddings.astype(jnp.float32)
    return embeddings

if __name__ == "__main__":
    import jax
    _d = setup_inputs()
    print(jax.jit(kernel)(*tuple(_d.values())))

</pallas_src>

<mosaic_0001>
#map = affine_map<(d0, d1) -> (0, 0)>
module attributes {stable_mosaic.version = 14 : i64} {
  func.func @gather_kernel(%arg0: i32, %arg1: i32, %arg2: memref<6400x128xi32, #tpu.memory_space<hbm>>, %arg3: memref<1000000x64xf32, #tpu.memory_space<hbm>>, %arg4: memref<819200x128xf32, #tpu.memory_space<hbm>>, %arg5: memref<200x128xi32, #tpu.memory_space<vmem>>, %arg6: memref<6x128x64xf32, #tpu.memory_space<vmem>>, %arg7: memref<6x!tpu.dma_semaphore, #tpu.memory_space<semaphore_mem>>, %arg8: memref<6x!tpu.dma_semaphore, #tpu.memory_space<semaphore_mem>>) attributes {dimension_semantics = [#tpu.dimension_semantics<core_parallel>, #tpu.dimension_semantics<subcore_parallel>], iteration_bounds = array<i64: 2, 16>, scalar_prefetch = 0 : i64, scratch_operands = 4 : i64, tpu.core_type = #tpu.core_type<sc_vector_subcore>, window_params = [{transform_indices = #map}, {transform_indices = #map}, {transform_indices = #map}]} {
    %mul3A = arith.constant 2 : i32
    %mul3A_0 = arith.muli %arg1, %mul3A : i32
    %add3A = arith.addi %mul3A_0, %arg0 : i32
    %mul3A_1 = arith.constant 200 : i32
    %mul3A_2 = arith.muli %add3A, %mul3A_1 : i32
    "tpu.region"() ({
      %run_scoped3A = tpu.sem_alloc : memref<!tpu.dma_semaphore, #tpu.memory_space<semaphore_mem>>
      %dma_start3A_269 = arith.constant 0 : i32
      %dma_start3A_270 = tpu.memref_slice %arg2[%mul3A_2, %dma_start3A_269] : memref<6400x128xi32, #tpu.memory_space<hbm>> -> memref<200x128xi32, #tpu.memory_space<hbm>>
      %dma_start3A_271 = arith.constant 0 : i32
      %dma_start3A_272 = tpu.memref_slice %arg2[%mul3A_2, %dma_start3A_271] : memref<6400x128xi32, #tpu.memory_space<hbm>> -> memref<200x128xi32, #tpu.memory_space<hbm>>
      tpu.enqueue_dma source(%dma_start3A_272 : memref<200x128xi32, #tpu.memory_space<hbm>>) target(%arg5 : memref<200x128xi32, #tpu.memory_space<vmem>>) target_semaphore(%run_scoped3A : memref<!tpu.dma_semaphore, #tpu.memory_space<semaphore_mem>>)
      %dma_wait3A_273 = arith.constant 0 : i32
      %dma_wait3A_274 = tpu.memref_slice %arg2[%mul3A_2, %dma_wait3A_273] : memref<6400x128xi32, #tpu.memory_space<hbm>> -> memref<200x128xi32, #tpu.memory_space<hbm>>
      %dma_wait3A_275 = arith.constant 0 : i32
      %dma_wait3A_276 = tpu.memref_slice %arg2[%mul3A_2, %dma_wait3A_275] : memref<6400x128xi32, #tpu.memory_space<hbm>> -> memref<200x128xi32, #tpu.memory_space<hbm>>
      tpu.wait_dma2 semaphore(%run_scoped3A : memref<!tpu.dma_semaphore, #tpu.memory_space<semaphore_mem>>) src(%dma_wait3A_276 : memref<200x128xi32, #tpu.memory_space<hbm>>) dst(%arg5 : memref<200x128xi32, #tpu.memory_space<vmem>>)
      tpu.yield
    }) : () -> ()
    %mul3A_3 = arith.constant 25600 : i32
    %mul3A_4 = arith.muli %add3A, %mul3A_3 : i32
    %scan3A = arith.constant 0 : i32
    %scan3A_5 = arith.constant 0 : i32
    %scan3A_6 = arith.constant 200 : i32
    %scan3A_7 = arith.addi %scan3A_5, %scan3A_6 : i32
    %scan3A_8 = arith.constant 2 : i32
    scf.for %scan3A_269 = %scan3A_5 to %scan3A_7 step %scan3A_8  : i32 {
      %rem3A = arith.constant 6 : i32
      %rem3A_270 = arith.remsi %scan3A_269, %rem3A : i32
      %ge3A = arith.constant 6 : i32
      %ge3A_271 = arith.cmpi sge, %scan3A_269, %ge3A : i32
      %convert_element_type3A = arith.extui %ge3A_271 : i1 to i32
      %cond3A = arith.constant 0 : i32
      %cond3A_272 = arith.cmpi ne, %convert_element_type3A, %cond3A : i32
      scf.if %cond3A_272 {
        %dma_wait3A_316 = arith.constant 0 : i32
        %dma_wait3A_317 = arith.constant 0 : i32
        %dma_wait3A_318 = tpu.memref_slice %arg6[%rem3A_270, %dma_wait3A_316, %dma_wait3A_317] : memref<6x128x64xf32, #tpu.memory_space<vmem>> -> memref<1x128x64xf32, #tpu.memory_space<vmem>>
        %dma_wait3A_319 = tpu.memref_squeeze %dma_wait3A_318 : memref<1x128x64xf32, #tpu.memory_space<vmem>> -> memref<128x64xf32, #tpu.memory_space<vmem>>
        %dma_wait3A_320 = arith.constant 0 : i32
        %dma_wait3A_321 = tpu.memref_slice %arg4[%mul3A_4, %dma_wait3A_320] : memref<819200x128xf32, #tpu.memory_space<hbm>> -> memref<128x64xf32, #tpu.memory_space<hbm>>
        %dma_wait3A_322 = tpu.memref_slice %arg8[%rem3A_270] : memref<6x!tpu.dma_semaphore, #tpu.memory_space<semaphore_mem>> -> memref<1x!tpu.dma_semaphore, #tpu.memory_space<semaphore_mem>>
        %dma_wait3A_323 = tpu.memref_squeeze %dma_wait3A_322 : memref<1x!tpu.dma_semaphore, #tpu.memory_space<semaphore_mem>> -> memref<!tpu.dma_semaphore, #tpu.memory_space<semaphore_mem>>
        %dma_wait3A_324 = arith.constant 0 : i32
        %dma_wait3A_325 = tpu.memref_slice %arg4[%mul3A_4, %dma_wait3A_324] : memref<819200x128xf32, #tpu.memory_space<hbm>> -> memref<128x64xf32, #tpu.memory_space<hbm>>
        %dma_wait3A_326 = arith.constant 0 : i32
        %dma_wait3A_327 = arith.constant 0 : i32
        %dma_wait3A_328 = tpu.memref_slice %arg6[%rem3A_270, %dma_wait3A_326, %dma_wait3A_327] : memref<6x128x64xf32, #tpu.memory_space<vmem>> -> memref<1x128x64xf32, #tpu.memory_space<vmem>>
        %dma_wait3A_329 = tpu.memref_squeeze %dma_wait3A_328 : memref<1x128x64xf32, #tpu.memory_space<vmem>> -> memref<128x64xf32, #tpu.memory_space<vmem>>
        tpu.wait_dma2 semaphore(%dma_wait3A_323 : memref<!tpu.dma_semaphore, #tpu.memory_space<semaphore_mem>>) src(%dma_wait3A_329 : memref<128x64xf32, #tpu.memory_space<vmem>>) dst(%dma_wait3A_325 : memref<128x64xf32, #tpu.memory_space<hbm>>)
      } else {
      }
      %dma_start3A_273 = arith.constant 0 : i32
      %dma_start3A_274 = arith.constant 0 : i32
      %dma_start3A_275 = tpu.memref_slice %arg6[%rem3A_270, %dma_start3A_273, %dma_start3A_274] : memref<6x128x64xf32, #tpu.memory_space<vmem>> -> memref<1x128x64xf32, #tpu.memory_space<vmem>>
      %dma_start3A_276 = tpu.memref_squeeze %dma_start3A_275 : memref<1x128x64xf32, #tpu.memory_space<vmem>> -> memref<128x64xf32, #tpu.memory_space<vmem>>
      %dma_start3A_277 = arith.constant 0 : i32
      %dma_start3A_278 = tpu.memref_slice %arg5[%scan3A_269, %dma_start3A_277] : memref<200x128xi32, #tpu.memory_space<vmem>> -> memref<1x128xi32, #tpu.memory_space<vmem>>
      %dma_start3A_279 = tpu.memref_squeeze %dma_start3A_278 : memref<1x128xi32, #tpu.memory_space<vmem>> -> memref<128xi32, #tpu.memory_space<vmem>>
      %dma_start3A_280 = arith.constant 0 : i32
      %dma_start3A_281 = arith.constant 0 : i32
      %dma_start3A_282 = tpu.memref_slice %arg3[%dma_start3A_280, %dma_start3A_281] : memref<1000000x64xf32, #tpu.memory_space<hbm>> -> memref<1000000x64xf32, #tpu.memory_space<hbm>>
      %dma_start3A_283 = tpu.memref_slice %arg7[%rem3A_270] : memref<6x!tpu.dma_semaphore, #tpu.memory_space<semaphore_mem>> -> memref<1x!tpu.dma_semaphore, #tpu.memory_space<semaphore_mem>>
      %dma_start3A_284 = tpu.memref_squeeze %dma_start3A_283 : memref<1x!tpu.dma_semaphore, #tpu.memory_space<semaphore_mem>> -> memref<!tpu.dma_semaphore, #tpu.memory_space<semaphore_mem>>
      tpu.enqueue_indirect_dma source(%dma_start3A_282 : memref<1000000x64xf32, #tpu.memory_space<hbm>>) target(%dma_start3A_276 : memref<128x64xf32, #tpu.memory_space<vmem>>) offsets(%dma_start3A_279 : memref<128xi32, #tpu.memory_space<vmem>>) semaphore(%dma_start3A_284 : memref<!tpu.dma_semaphore, #tpu.memory_space<semaphore_mem>>)
      %ge3A_285 = arith.constant 5 : i32
      %ge3A_286 = arith.cmpi sge, %scan3A_269, %ge3A_285 : i32
      %convert_element_type3A_287 = arith.extui %ge3A_286 : i1 to i32
      %cond3A_288 = arith.constant 0 : i32
      %cond3A_289 = arith.cmpi ne, %convert_element_type3A_287, %cond3A_288 : i32
      scf.if %cond3A_289 {
        %sub3A = arith.constant 5 : i32
        %sub3A_316 = arith.subi %scan3A_269, %sub3A : i32
        %rem3A_317 = arith.constant 6 : i32
        %rem3A_318 = arith.remsi %sub3A_316, %rem3A_317 : i32
        %dma_wait3A_319 = arith.constant 0 : i32
        %dma_wait3A_320 = arith.constant 0 : i32
        %dma_wait3A_321 = arith.constant 0 : i32
        %dma_wait3A_322 = tpu.memref_slice %arg6[%rem3A_318, %dma_wait3A_320, %dma_wait3A_321] : memref<6x128x64xf32, #tpu.memory_space<vmem>> -> memref<1x128x64xf32, #tpu.memory_space<vmem>>
        %dma_wait3A_323 = tpu.memref_squeeze %dma_wait3A_322 : memref<1x128x64xf32, #tpu.memory_space<vmem>> -> memref<128x64xf32, #tpu.memory_space<vmem>>
        %dma_wait3A_324 = arith.constant 0 : i32
        %dma_wait3A_325 = tpu.memref_slice %arg5[%dma_wait3A_319, %dma_wait3A_324] : memref<200x128xi32, #tpu.memory_space<vmem>> -> memref<1x128xi32, #tpu.memory_space<vmem>>
        %dma_wait3A_326 = tpu.memref_squeeze %dma_wait3A_325 : memref<1x128xi32, #tpu.memory_space<vmem>> -> memref<128xi32, #tpu.memory_space<vmem>>
        %dma_wait3A_327 = arith.constant 0 : i32
        %dma_wait3A_328 = arith.constant 0 : i32
        %dma_wait3A_329 = tpu.memref_slice %arg3[%dma_wait3A_327, %dma_wait3A_328] : memref<1000000x64xf32, #tpu.memory_space<hbm>> -> memref<1000000x64xf32, #tpu.memory_space<hbm>>
        %dma_wait3A_330 = tpu.memref_slice %arg7[%rem3A_318] : memref<6x!tpu.dma_semaphore, #tpu.memory_space<semaphore_mem>> -> memref<1x!tpu.dma_semaphore, #tpu.memory_space<semaphore_mem>>
        %dma_wait3A_331 = tpu.memref_squeeze %dma_wait3A_330 : memref<1x!tpu.dma_semaphore, #tpu.memory_space<semaphore_mem>> -> memref<!tpu.dma_semaphore, #tpu.memory_space<semaphore_mem>>
        tpu.wait_indirect_dma semaphore(%dma_wait3A_331 : memref<!tpu.dma_semaphore, #tpu.memory_space<semaphore_mem>>) src(%dma_wait3A_329 : memref<1000000x64xf32, #tpu.memory_space<hbm>>) dst(%dma_wait3A_323 : memref<128x64xf32, #tpu.memory_space<vmem>>)
        %mul3A_332 = arith.constant 128 : i32
        %mul3A_333 = arith.muli %sub3A_316, %mul3A_332 : i32
        %add3A_334 = arith.addi %mul3A_4, %mul3A_333 : i32
        %dma_start3A_335 = arith.constant 0 : i32
        %dma_start3A_336 = arith.constant 0 : i32
        %dma_start3A_337 = tpu.memref_slice %arg6[%rem3A_318, %dma_start3A_335, %dma_start3A_336] : memref<6x128x64xf32, #tpu.memory_space<vmem>> -> memref<1x128x64xf32, #tpu.memory_space<vmem>>
        %dma_start3A_338 = tpu.memref_squeeze %dma_start3A_337 : memref<1x128x64xf32, #tpu.memory_space<vmem>> -> memref<128x64xf32, #tpu.memory_space<vmem>>
        %dma_start3A_339 = arith.constant 0 : i32
        %dma_start3A_340 = tpu.memref_slice %arg4[%add3A_334, %dma_start3A_339] : memref<819200x128xf32, #tpu.memory_space<hbm>> -> memref<128x64xf32, #tpu.memory_space<hbm>>
        %dma_start3A_341 = tpu.memref_slice %arg8[%rem3A_318] : memref<6x!tpu.dma_semaphore, #tpu.memory_space<semaphore_mem>> -> memref<1x!tpu.dma_semaphore, #tpu.memory_space<semaphore_mem>>
        %dma_start3A_342 = tpu.memref_squeeze %dma_start3A_341 : memref<1x!tpu.dma_semaphore, #tpu.memory_space<semaphore_mem>> -> memref<!tpu.dma_semaphore, #tpu.memory_space<semaphore_mem>>
        %dma_start3A_343 = arith.constant 0 : i32
        %dma_start3A_344 = tpu.memref_slice %arg4[%add3A_334, %dma_start3A_343] : memref<819200x128xf32, #tpu.memory_space<hbm>> -> memref<128x64xf32, #tpu.memory_space<hbm>>
        %dma_start3A_345 = arith.constant 0 : i32
        %dma_start3A_346 = arith.constant 0 : i32
        %dma_start3A_347 = tpu.memref_slice %arg6[%rem3A_318, %dma_start3A_345, %dma_start3A_346] : memref<6x128x64xf32, #tpu.memory_space<vmem>> -> memref<1x128x64xf32, #tpu.memory_space<vmem>>
        %dma_start3A_348 = tpu.memref_squeeze %dma_start3A_347 : memref<1x128x64xf32, #tpu.memory_space<vmem>> -> memref<128x64xf32, #tpu.memory_space<vmem>>
        tpu.enqueue_dma source(%dma_start3A_348 : memref<128x64xf32, #tpu.memory_space<vmem>>) target(%dma_start3A_344 : memref<128x64xf32, #tpu.memory_space<hbm>>) target_semaphore(%dma_start3A_342 : memref<!tpu.dma_semaphore, #tpu.memory_space<semaphore_mem>>)
      } else {
      }
      %scan3A_290 = arith.constant 1 : i32
      %scan3A_291 = arith.addi %scan3A_269, %scan3A_290 : i32
      %rem3A_292 = arith.constant 6 : i32
      %rem3A_293 = arith.remsi %scan3A_291, %rem3A_292 : i32
      %ge3A_294 = arith.constant 6 : i32
      %ge3A_295 = arith.cmpi sge, %scan3A_291, %ge3A_294 : i32
      %convert_element_type3A_296 = arith.extui %ge3A_295 : i1 to i32
      %cond3A_297 = arith.constant 0 : i32
      %cond3A_298 = arith.cmpi ne, %convert_element_type3A_296, %cond3A_297 : i32
      scf.if %cond3A_298 {
        %dma_wait3A_316 = arith.constant 0 : i32
        %dma_wait3A_317 = arith.constant 0 : i32
        %dma_wait3A_318 = tpu.memref_slice %arg6[%rem3A_293, %dma_wait3A_316, %dma_wait3A_317] : memref<6x128x64xf32, #tpu.memory_space<vmem>> -> memref<1x128x64xf32, #tpu.memory_space<vmem>>
        %dma_wait3A_319 = tpu.memref_squeeze %dma_wait3A_318 : memref<1x128x64xf32, #tpu.memory_space<vmem>> -> memref<128x64xf32, #tpu.memory_space<vmem>>
        %dma_wait3A_320 = arith.constant 0 : i32
        %dma_wait3A_321 = tpu.memref_slice %arg4[%mul3A_4, %dma_wait3A_320] : memref<819200x128xf32, #tpu.memory_space<hbm>> -> memref<128x64xf32, #tpu.memory_space<hbm>>
        %dma_wait3A_322 = tpu.memref_slice %arg8[%rem3A_293] : memref<6x!tpu.dma_semaphore, #tpu.memory_space<semaphore_mem>> -> memref<1x!tpu.dma_semaphore, #tpu.memory_space<semaphore_mem>>
        %dma_wait3A_323 = tpu.memref_squeeze %dma_wait3A_322 : memref<1x!tpu.dma_semaphore, #tpu.memory_space<semaphore_mem>> -> memref<!tpu.dma_semaphore, #tpu.memory_space<semaphore_mem>>
        %dma_wait3A_324 = arith.constant 0 : i32
        %dma_wait3A_325 = tpu.memref_slice %arg4[%mul3A_4, %dma_wait3A_324] : memref<819200x128xf32, #tpu.memory_space<hbm>> -> memref<128x64xf32, #tpu.memory_space<hbm>>
        %dma_wait3A_326 = arith.constant 0 : i32
        %dma_wait3A_327 = arith.constant 0 : i32
        %dma_wait3A_328 = tpu.memref_slice %arg6[%rem3A_293, %dma_wait3A_326, %dma_wait3A_327] : memref<6x128x64xf32, #tpu.memory_space<vmem>> -> memref<1x128x64xf32, #tpu.memory_space<vmem>>
        %dma_wait3A_329 = tpu.memref_squeeze %dma_wait3A_328 : memref<1x128x64xf32, #tpu.memory_space<vmem>> -> memref<128x64xf32, #tpu.memory_space<vmem>>
        tpu.wait_dma2 semaphore(%dma_wait3A_323 : memref<!tpu.dma_semaphore, #tpu.memory_space<semaphore_mem>>) src(%dma_wait3A_329 : memref<128x64xf32, #tpu.memory_space<vmem>>) dst(%dma_wait3A_325 : memref<128x64xf32, #tpu.memory_space<hbm>>)
      } else {
      }
      %dma_start3A_299 = arith.constant 0 : i32
      %dma_start3A_300 = arith.constant 0 : i32
      %dma_start3A_301 = tpu.memref_slice %arg6[%rem3A_293, %dma_start3A_299, %dma_start3A_300] : memref<6x128x64xf32, #tpu.memory_space<vmem>> -> memref<1x128x64xf32, #tpu.memory_space<vmem>>
      %dma_start3A_302 = tpu.memref_squeeze %dma_start3A_301 : memref<1x128x64xf32, #tpu.memory_space<vmem>> -> memref<128x64xf32, #tpu.memory_space<vmem>>
      %dma_start3A_303 = arith.constant 0 : i32
      %dma_start3A_304 = tpu.memref_slice %arg5[%scan3A_291, %dma_start3A_303] : memref<200x128xi32, #tpu.memory_space<vmem>> -> memref<1x128xi32, #tpu.memory_space<vmem>>
      %dma_start3A_305 = tpu.memref_squeeze %dma_start3A_304 : memref<1x128xi32, #tpu.memory_space<vmem>> -> memref<128xi32, #tpu.memory_space<vmem>>
      %dma_start3A_306 = arith.constant 0 : i32
      %dma_start3A_307 = arith.constant 0 : i32
      %dma_start3A_308 = tpu.memref_slice %arg3[%dma_start3A_306, %dma_start3A_307] : memref<1000000x64xf32, #tpu.memory_space<hbm>> -> memref<1000000x64xf32, #tpu.memory_space<hbm>>
      %dma_start3A_309 = tpu.memref_slice %arg7[%rem3A_293] : memref<6x!tpu.dma_semaphore, #tpu.memory_space<semaphore_mem>> -> memref<1x!tpu.dma_semaphore, #tpu.memory_space<semaphore_mem>>
      %dma_start3A_310 = tpu.memref_squeeze %dma_start3A_309 : memref<1x!tpu.dma_semaphore, #tpu.memory_space<semaphore_mem>> -> memref<!tpu.dma_semaphore, #tpu.memory_space<semaphore_mem>>
      tpu.enqueue_indirect_dma source(%dma_start3A_308 : memref<1000000x64xf32, #tpu.memory_space<hbm>>) target(%dma_start3A_302 : memref<128x64xf32, #tpu.memory_space<vmem>>) offsets(%dma_start3A_305 : memref<128xi32, #tpu.memory_space<vmem>>) semaphore(%dma_start3A_310 : memref<!tpu.dma_semaphore, #tpu.memory_space<semaphore_mem>>)
      %ge3A_311 = arith.constant 5 : i32
      %ge3A_312 = arith.cmpi sge, %scan3A_291, %ge3A_311 : i32
      %convert_element_type3A_313 = arith.extui %ge3A_312 : i1 to i32
      %cond3A_314 = arith.constant 0 : i32
      %cond3A_315 = arith.cmpi ne, %convert_element_type3A_313, %cond3A_314 : i32
      scf.if %cond3A_315 {
        %sub3A = arith.constant 5 : i32
        %sub3A_316 = arith.subi %scan3A_291, %sub3A : i32
        %rem3A_317 = arith.constant 6 : i32
        %rem3A_318 = arith.remsi %sub3A_316, %rem3A_317 : i32
        %dma_wait3A_319 = arith.constant 0 : i32
        %dma_wait3A_320 = arith.constant 0 : i32
        %dma_wait3A_321 = arith.constant 0 : i32
        %dma_wait3A_322 = tpu.memref_slice %arg6[%rem3A_318, %dma_wait3A_320, %dma_wait3A_321] : memref<6x128x64xf32, #tpu.memory_space<vmem>> -> memref<1x128x64xf32, #tpu.memory_space<vmem>>
        %dma_wait3A_323 = tpu.memref_squeeze %dma_wait3A_322 : memref<1x128x64xf32, #tpu.memory_space<vmem>> -> memref<128x64xf32, #tpu.memory_space<vmem>>
        %dma_wait3A_324 = arith.constant 0 : i32
        %dma_wait3A_325 = tpu.memref_slice %arg5[%dma_wait3A_319, %dma_wait3A_324] : memref<200x128xi32, #tpu.memory_space<vmem>> -> memref<1x128xi32, #tpu.memory_space<vmem>>
        %dma_wait3A_326 = tpu.memref_squeeze %dma_wait3A_325 : memref<1x128xi32, #tpu.memory_space<vmem>> -> memref<128xi32, #tpu.memory_space<vmem>>
        %dma_wait3A_327 = arith.constant 0 : i32
        %dma_wait3A_328 = arith.constant 0 : i32
        %dma_wait3A_329 = tpu.memref_slice %arg3[%dma_wait3A_327, %dma_wait3A_328] : memref<1000000x64xf32, #tpu.memory_space<hbm>> -> memref<1000000x64xf32, #tpu.memory_space<hbm>>
        %dma_wait3A_330 = tpu.memref_slice %arg7[%rem3A_318] : memref<6x!tpu.dma_semaphore, #tpu.memory_space<semaphore_mem>> -> memref<1x!tpu.dma_semaphore, #tpu.memory_space<semaphore_mem>>
        %dma_wait3A_331 = tpu.memref_squeeze %dma_wait3A_330 : memref<1x!tpu.dma_semaphore, #tpu.memory_space<semaphore_mem>> -> memref<!tpu.dma_semaphore, #tpu.memory_space<semaphore_mem>>
        tpu.wait_indirect_dma semaphore(%dma_wait3A_331 : memref<!tpu.dma_semaphore, #tpu.memory_space<semaphore_mem>>) src(%dma_wait3A_329 : memref<1000000x64xf32, #tpu.memory_space<hbm>>) dst(%dma_wait3A_323 : memref<128x64xf32, #tpu.memory_space<vmem>>)
        %mul3A_332 = arith.constant 128 : i32
        %mul3A_333 = arith.muli %sub3A_316, %mul3A_332 : i32
        %add3A_334 = arith.addi %mul3A_4, %mul3A_333 : i32
        %dma_start3A_335 = arith.constant 0 : i32
        %dma_start3A_336 = arith.constant 0 : i32
        %dma_start3A_337 = tpu.memref_slice %arg6[%rem3A_318, %dma_start3A_335, %dma_start3A_336] : memref<6x128x64xf32, #tpu.memory_space<vmem>> -> memref<1x128x64xf32, #tpu.memory_space<vmem>>
        %dma_start3A_338 = tpu.memref_squeeze %dma_start3A_337 : memref<1x128x64xf32, #tpu.memory_space<vmem>> -> memref<128x64xf32, #tpu.memory_space<vmem>>
        %dma_start3A_339 = arith.constant 0 : i32
        %dma_start3A_340 = tpu.memref_slice %arg4[%add3A_334, %dma_start3A_339] : memref<819200x128xf32, #tpu.memory_space<hbm>> -> memref<128x64xf32, #tpu.memory_space<hbm>>
        %dma_start3A_341 = tpu.memref_slice %arg8[%rem3A_318] : memref<6x!tpu.dma_semaphore, #tpu.memory_space<semaphore_mem>> -> memref<1x!tpu.dma_semaphore, #tpu.memory_space<semaphore_mem>>
        %dma_start3A_342 = tpu.memref_squeeze %dma_start3A_341 : memref<1x!tpu.dma_semaphore, #tpu.memory_space<semaphore_mem>> -> memref<!tpu.dma_semaphore, #tpu.memory_space<semaphore_mem>>
        %dma_start3A_343 = arith.constant 0 : i32
        %dma_start3A_344 = tpu.memref_slice %arg4[%add3A_334, %dma_start3A_343] : memref<819200x128xf32, #tpu.memory_space<hbm>> -> memref<128x64xf32, #tpu.memory_space<hbm>>
        %dma_start3A_345 = arith.constant 0 : i32
        %dma_start3A_346 = arith.constant 0 : i32
        %dma_start3A_347 = tpu.memref_slice %arg6[%rem3A_318, %dma_start3A_345, %dma_start3A_346] : memref<6x128x64xf32, #tpu.memory_space<vmem>> -> memref<1x128x64xf32, #tpu.memory_space<vmem>>
        %dma_start3A_348 = tpu.memref_squeeze %dma_start3A_347 : memref<1x128x64xf32, #tpu.memory_space<vmem>> -> memref<128x64xf32, #tpu.memory_space<vmem>>
        tpu.enqueue_dma source(%dma_start3A_348 : memref<128x64xf32, #tpu.memory_space<vmem>>) target(%dma_start3A_344 : memref<128x64xf32, #tpu.memory_space<hbm>>) target_semaphore(%dma_start3A_342 : memref<!tpu.dma_semaphore, #tpu.memory_space<semaphore_mem>>)
      } else {
      }
    }
    %scan3A_9 = arith.constant 200 : i32
    %dma_wait3A = arith.constant 0 : i32
    %dma_wait3A_10 = arith.constant 3 : i32
    %dma_wait3A_11 = arith.constant 3 : i32
    %dma_wait3A_12 = arith.constant 0 : i32
    %dma_wait3A_13 = arith.constant 0 : i32
    %dma_wait3A_14 = tpu.memref_slice %arg6[%dma_wait3A_10, %dma_wait3A_12, %dma_wait3A_13] : memref<6x128x64xf32, #tpu.memory_space<vmem>> -> memref<1x128x64xf32, #tpu.memory_space<vmem>>
    %dma_wait3A_15 = tpu.memref_squeeze %dma_wait3A_14 : memref<1x128x64xf32, #tpu.memory_space<vmem>> -> memref<128x64xf32, #tpu.memory_space<vmem>>
    %dma_wait3A_16 = arith.constant 0 : i32
    %dma_wait3A_17 = tpu.memref_slice %arg5[%dma_wait3A, %dma_wait3A_16] : memref<200x128xi32, #tpu.memory_space<vmem>> -> memref<1x128xi32, #tpu.memory_space<vmem>>
    %dma_wait3A_18 = tpu.memref_squeeze %dma_wait3A_17 : memref<1x128xi32, #tpu.memory_space<vmem>> -> memref<128xi32, #tpu.memory_space<vmem>>
    %dma_wait3A_19 = arith.constant 0 : i32
    %dma_wait3A_20 = arith.constant 0 : i32
    %dma_wait3A_21 = tpu.memref_slice %arg3[%dma_wait3A_19, %dma_wait3A_20] : memref<1000000x64xf32, #tpu.memory_space<hbm>> -> memref<1000000x64xf32, #tpu.memory_space<hbm>>
    %dma_wait3A_22 = tpu.memref_slice %arg7[%dma_wait3A_11] : memref<6x!tpu.dma_semaphore, #tpu.memory_space<semaphore_mem>> -> memref<1x!tpu.dma_semaphore, #tpu.memory_space<semaphore_mem>>
    %dma_wait3A_23 = tpu.memref_squeeze %dma_wait3A_22 : memref<1x!tpu.dma_semaphore, #tpu.memory_space<semaphore_mem>> -> memref<!tpu.dma_semaphore, #tpu.memory_space<semaphore_mem>>
    tpu.wait_indirect_dma semaphore(%dma_wait3A_23 : memref<!tpu.dma_semaphore, #tpu.memory_space<semaphore_mem>>) src(%dma_wait3A_21 : memref<1000000x64xf32, #tpu.memory_space<hbm>>) dst(%dma_wait3A_15 : memref<128x64xf32, #tpu.memory_space<vmem>>)
    %add3A_24 = arith.constant 24960 : i32
    %add3A_25 = arith.addi %mul3A_4, %add3A_24 : i32
    %dma_start3A = arith.constant 3 : i32
    %dma_start3A_26 = arith.constant 3 : i32
    %dma_start3A_27 = arith.constant 0 : i32
    %dma_start3A_28 = arith.constant 0 : i32
    %dma_start3A_29 = tpu.memref_slice %arg6[%dma_start3A, %dma_start3A_27, %dma_start3A_28] : memref<6x128x64xf32, #tpu.memory_space<vmem>> -> memref<1x128x64xf32, #tpu.memory_space<vmem>>
    %dma_start3A_30 = tpu.memref_squeeze %dma_start3A_29 : memref<1x128x64xf32, #tpu.memory_space<vmem>> -> memref<128x64xf32, #tpu.memory_space<vmem>>
    %dma_start3A_31 = arith.constant 0 : i32
    %dma_start3A_32 = tpu.memref_slice %arg4[%add3A_25, %dma_start3A_31] : memref<819200x128xf32, #tpu.memory_space<hbm>> -> memref<128x64xf32, #tpu.memory_space<hbm>>
    %dma_start3A_33 = tpu.memref_slice %arg8[%dma_start3A_26] : memref<6x!tpu.dma_semaphore, #tpu.memory_space<semaphore_mem>> -> memref<1x!tpu.dma_semaphore, #tpu.memory_space<semaphore_mem>>
    %dma_start3A_34 = tpu.memref_squeeze %dma_start3A_33 : memref<1x!tpu.dma_semaphore, #tpu.memory_space<semaphore_mem>> -> memref<!tpu.dma_semaphore, #tpu.memory_space<semaphore_mem>>
    %dma_start3A_35 = arith.constant 0 : i32
    %dma_start3A_36 = tpu.memref_slice %arg4[%add3A_25, %dma_start3A_35] : memref<819200x128xf32, #tpu.memory_space<hbm>> -> memref<128x64xf32, #tpu.memory_space<hbm>>
    %dma_start3A_37 = arith.constant 0 : i32
    %dma_start3A_38 = arith.constant 0 : i32
    %dma_start3A_39 = tpu.memref_slice %arg6[%dma_start3A, %dma_start3A_37, %dma_start3A_38] : memref<6x128x64xf32, #tpu.memory_space<vmem>> -> memref<1x128x64xf32, #tpu.memory_space<vmem>>
    %dma_start3A_40 = tpu.memref_squeeze %dma_start3A_39 : memref<1x128x64xf32, #tpu.memory_space<vmem>> -> memref<128x64xf32, #tpu.memory_space<vmem>>
    tpu.enqueue_dma source(%dma_start3A_40 : memref<128x64xf32, #tpu.memory_space<vmem>>) target(%dma_start3A_36 : memref<128x64xf32, #tpu.memory_space<hbm>>) target_semaphore(%dma_start3A_34 : memref<!tpu.dma_semaphore, #tpu.memory_space<semaphore_mem>>)
    %dma_wait3A_41 = arith.constant 0 : i32
    %dma_wait3A_42 = arith.constant 4 : i32
    %dma_wait3A_43 = arith.constant 4 : i32
    %dma_wait3A_44 = arith.constant 0 : i32
    %dma_wait3A_45 = arith.constant 0 : i32
    %dma_wait3A_46 = tpu.memref_slice %arg6[%dma_wait3A_42, %dma_wait3A_44, %dma_wait3A_45] : memref<6x128x64xf32, #tpu.memory_space<vmem>> -> memref<1x128x64xf32, #tpu.memory_space<vmem>>
    %dma_wait3A_47 = tpu.memref_squeeze %dma_wait3A_46 : memref<1x128x64xf32, #tpu.memory_space<vmem>> -> memref<128x64xf32, #tpu.memory_space<vmem>>
    %dma_wait3A_48 = arith.constant 0 : i32
    %dma_wait3A_49 = tpu.memref_slice %arg5[%dma_wait3A_41, %dma_wait3A_48] : memref<200x128xi32, #tpu.memory_space<vmem>> -> memref<1x128xi32, #tpu.memory_space<vmem>>
    %dma_wait3A_50 = tpu.memref_squeeze %dma_wait3A_49 : memref<1x128xi32, #tpu.memory_space<vmem>> -> memref<128xi32, #tpu.memory_space<vmem>>
    %dma_wait3A_51 = arith.constant 0 : i32
    %dma_wait3A_52 = arith.constant 0 : i32
    %dma_wait3A_53 = tpu.memref_slice %arg3[%dma_wait3A_51, %dma_wait3A_52] : memref<1000000x64xf32, #tpu.memory_space<hbm>> -> memref<1000000x64xf32, #tpu.memory_space<hbm>>
    %dma_wait3A_54 = tpu.memref_slice %arg7[%dma_wait3A_43] : memref<6x!tpu.dma_semaphore, #tpu.memory_space<semaphore_mem>> -> memref<1x!tpu.dma_semaphore, #tpu.memory_space<semaphore_mem>>
    %dma_wait3A_55 = tpu.memref_squeeze %dma_wait3A_54 : memref<1x!tpu.dma_semaphore, #tpu.memory_space<semaphore_mem>> -> memref<!tpu.dma_semaphore, #tpu.memory_space<semaphore_mem>>
    tpu.wait_indirect_dma semaphore(%dma_wait3A_55 : memref<!tpu.dma_semaphore, #tpu.memory_space<semaphore_mem>>) src(%dma_wait3A_53 : memref<1000000x64xf32, #tpu.memory_space<hbm>>) dst(%dma_wait3A_47 : memref<128x64xf32, #tpu.memory_space<vmem>>)
    %add3A_56 = arith.constant 25088 : i32
    %add3A_57 = arith.addi %mul3A_4, %add3A_56 : i32
    %dma_start3A_58 = arith.constant 4 : i32
    %dma_start3A_59 = arith.constant 4 : i32
    %dma_start3A_60 = arith.constant 0 : i32
    %dma_start3A_61 = arith.constant 0 : i32
    %dma_start3A_62 = tpu.memref_slice %arg6[%dma_start3A_58, %dma_start3A_60, %dma_start3A_61] : memref<6x128x64xf32, #tpu.memory_space<vmem>> -> memref<1x128x64xf32, #tpu.memory_space<vmem>>
    %dma_start3A_63 = tpu.memref_squeeze %dma_start3A_62 : memref<1x128x64xf32, #tpu.memory_space<vmem>> -> memref<128x64xf32, #tpu.memory_space<vmem>>
    %dma_start3A_64 = arith.constant 0 : i32
    %dma_start3A_65 = tpu.memref_slice %arg4[%add3A_57, %dma_start3A_64] : memref<819200x128xf32, #tpu.memory_space<hbm>> -> memref<128x64xf32, #tpu.memory_space<hbm>>
    %dma_start3A_66 = tpu.memref_slice %arg8[%dma_start3A_59] : memref<6x!tpu.dma_semaphore, #tpu.memory_space<semaphore_mem>> -> memref<1x!tpu.dma_semaphore, #tpu.memory_space<semaphore_mem>>
    %dma_start3A_67 = tpu.memref_squeeze %dma_start3A_66 : memref<1x!tpu.dma_semaphore, #tpu.memory_space<semaphore_mem>> -> memref<!tpu.dma_semaphore, #tpu.memory_space<semaphore_mem>>
    %dma_start3A_68 = arith.constant 0 : i32
    %dma_start3A_69 = tpu.memref_slice %arg4[%add3A_57, %dma_start3A_68] : memref<819200x128xf32, #tpu.memory_space<hbm>> -> memref<128x64xf32, #tpu.memory_space<hbm>>
    %dma_start3A_70 = arith.constant 0 : i32
    %dma_start3A_71 = arith.constant 0 : i32
    %dma_start3A_72 = tpu.memref_slice %arg6[%dma_start3A_58, %dma_start3A_70, %dma_start3A_71] : memref<6x128x64xf32, #tpu.memory_space<vmem>> -> memref<1x128x64xf32, #tpu.memory_space<vmem>>
    %dma_start3A_73 = tpu.memref_squeeze %dma_start3A_72 : memref<1x128x64xf32, #tpu.memory_space<vmem>> -> memref<128x64xf32, #tpu.memory_space<vmem>>
    tpu.enqueue_dma source(%dma_start3A_73 : memref<128x64xf32, #tpu.memory_space<vmem>>) target(%dma_start3A_69 : memref<128x64xf32, #tpu.memory_space<hbm>>) target_semaphore(%dma_start3A_67 : memref<!tpu.dma_semaphore, #tpu.memory_space<semaphore_mem>>)
    %dma_wait3A_74 = arith.constant 0 : i32
    %dma_wait3A_75 = arith.constant 5 : i32
    %dma_wait3A_76 = arith.constant 5 : i32
    %dma_wait3A_77 = arith.constant 0 : i32
    %dma_wait3A_78 = arith.constant 0 : i32
    %dma_wait3A_79 = tpu.memref_slice %arg6[%dma_wait3A_75, %dma_wait3A_77, %dma_wait3A_78] : memref<6x128x64xf32, #tpu.memory_space<vmem>> -> memref<1x128x64xf32, #tpu.memory_space<vmem>>
    %dma_wait3A_80 = tpu.memref_squeeze %dma_wait3A_79 : memref<1x128x64xf32, #tpu.memory_space<vmem>> -> memref<128x64xf32, #tpu.memory_space<vmem>>
    %dma_wait3A_81 = arith.constant 0 : i32
    %dma_wait3A_82 = tpu.memref_slice %arg5[%dma_wait3A_74, %dma_wait3A_81] : memref<200x128xi32, #tpu.memory_space<vmem>> -> memref<1x128xi32, #tpu.memory_space<vmem>>
    %dma_wait3A_83 = tpu.memref_squeeze %dma_wait3A_82 : memref<1x128xi32, #tpu.memory_space<vmem>> -> memref<128xi32, #tpu.memory_space<vmem>>
    %dma_wait3A_84 = arith.constant 0 : i32
    %dma_wait3A_85 = arith.constant 0 : i32
    %dma_wait3A_86 = tpu.memref_slice %arg3[%dma_wait3A_84, %dma_wait3A_85] : memref<1000000x64xf32, #tpu.memory_space<hbm>> -> memref<1000000x64xf32, #tpu.memory_space<hbm>>
    %dma_wait3A_87 = tpu.memref_slice %arg7[%dma_wait3A_76] : memref<6x!tpu.dma_semaphore, #tpu.memory_space<semaphore_mem>> -> memref<1x!tpu.dma_semaphore, #tpu.memory_space<semaphore_mem>>
    %dma_wait3A_88 = tpu.memref_squeeze %dma_wait3A_87 : memref<1x!tpu.dma_semaphore, #tpu.memory_space<semaphore_mem>> -> memref<!tpu.dma_semaphore, #tpu.memory_space<semaphore_mem>>
    tpu.wait_indirect_dma semaphore(%dma_wait3A_88 : memref<!tpu.dma_semaphore, #tpu.memory_space<semaphore_mem>>) src(%dma_wait3A_86 : memref<1000000x64xf32, #tpu.memory_space<hbm>>) dst(%dma_wait3A_80 : memref<128x64xf32, #tpu.memory_space<vmem>>)
    %add3A_89 = arith.constant 25216 : i32
    %add3A_90 = arith.addi %mul3A_4, %add3A_89 : i32
    %dma_start3A_91 = arith.constant 5 : i32
    %dma_start3A_92 = arith.constant 5 : i32
    %dma_start3A_93 = arith.constant 0 : i32
    %dma_start3A_94 = arith.constant 0 : i32
    %dma_start3A_95 = tpu.memref_slice %arg6[%dma_start3A_91, %dma_start3A_93, %dma_start3A_94] : memref<6x128x64xf32, #tpu.memory_space<vmem>> -> memref<1x128x64xf32, #tpu.memory_space<vmem>>
    %dma_start3A_96 = tpu.memref_squeeze %dma_start3A_95 : memref<1x128x64xf32, #tpu.memory_space<vmem>> -> memref<128x64xf32, #tpu.memory_space<vmem>>
    %dma_start3A_97 = arith.constant 0 : i32
    %dma_start3A_98 = tpu.memref_slice %arg4[%add3A_90, %dma_start3A_97] : memref<819200x128xf32, #tpu.memory_space<hbm>> -> memref<128x64xf32, #tpu.memory_space<hbm>>
    %dma_start3A_99 = tpu.memref_slice %arg8[%dma_start3A_92] : memref<6x!tpu.dma_semaphore, #tpu.memory_space<semaphore_mem>> -> memref<1x!tpu.dma_semaphore, #tpu.memory_space<semaphore_mem>>
    %dma_start3A_100 = tpu.memref_squeeze %dma_start3A_99 : memref<1x!tpu.dma_semaphore, #tpu.memory_space<semaphore_mem>> -> memref<!tpu.dma_semaphore, #tpu.memory_space<semaphore_mem>>
    %dma_start3A_101 = arith.constant 0 : i32
    %dma_start3A_102 = tpu.memref_slice %arg4[%add3A_90, %dma_start3A_101] : memref<819200x128xf32, #tpu.memory_space<hbm>> -> memref<128x64xf32, #tpu.memory_space<hbm>>
    %dma_start3A_103 = arith.constant 0 : i32
    %dma_start3A_104 = arith.constant 0 : i32
    %dma_start3A_105 = tpu.memref_slice %arg6[%dma_start3A_91, %dma_start3A_103, %dma_start3A_104] : memref<6x128x64xf32, #tpu.memory_space<vmem>> -> memref<1x128x64xf32, #tpu.memory_space<vmem>>
    %dma_start3A_106 = tpu.memref_squeeze %dma_start3A_105 : memref<1x128x64xf32, #tpu.memory_space<vmem>> -> memref<128x64xf32, #tpu.memory_space<vmem>>
    tpu.enqueue_dma source(%dma_start3A_106 : memref<128x64xf32, #tpu.memory_space<vmem>>) target(%dma_start3A_102 : memref<128x64xf32, #tpu.memory_space<hbm>>) target_semaphore(%dma_start3A_100 : memref<!tpu.dma_semaphore, #tpu.memory_space<semaphore_mem>>)
    %dma_wait3A_107 = arith.constant 0 : i32
    %dma_wait3A_108 = arith.constant 0 : i32
    %dma_wait3A_109 = arith.constant 0 : i32
    %dma_wait3A_110 = arith.constant 0 : i32
    %dma_wait3A_111 = arith.constant 0 : i32
    %dma_wait3A_112 = tpu.memref_slice %arg6[%dma_wait3A_108, %dma_wait3A_110, %dma_wait3A_111] : memref<6x128x64xf32, #tpu.memory_space<vmem>> -> memref<1x128x64xf32, #tpu.memory_space<vmem>>
    %dma_wait3A_113 = tpu.memref_squeeze %dma_wait3A_112 : memref<1x128x64xf32, #tpu.memory_space<vmem>> -> memref<128x64xf32, #tpu.memory_space<vmem>>
    %dma_wait3A_114 = arith.constant 0 : i32
    %dma_wait3A_115 = tpu.memref_slice %arg5[%dma_wait3A_107, %dma_wait3A_114] : memref<200x128xi32, #tpu.memory_space<vmem>> -> memref<1x128xi32, #tpu.memory_space<vmem>>
    %dma_wait3A_116 = tpu.memref_squeeze %dma_wait3A_115 : memref<1x128xi32, #tpu.memory_space<vmem>> -> memref<128xi32, #tpu.memory_space<vmem>>
    %dma_wait3A_117 = arith.constant 0 : i32
    %dma_wait3A_118 = arith.constant 0 : i32
    %dma_wait3A_119 = tpu.memref_slice %arg3[%dma_wait3A_117, %dma_wait3A_118] : memref<1000000x64xf32, #tpu.memory_space<hbm>> -> memref<1000000x64xf32, #tpu.memory_space<hbm>>
    %dma_wait3A_120 = tpu.memref_slice %arg7[%dma_wait3A_109] : memref<6x!tpu.dma_semaphore, #tpu.memory_space<semaphore_mem>> -> memref<1x!tpu.dma_semaphore, #tpu.memory_space<semaphore_mem>>
    %dma_wait3A_121 = tpu.memref_squeeze %dma_wait3A_120 : memref<1x!tpu.dma_semaphore, #tpu.memory_space<semaphore_mem>> -> memref<!tpu.dma_semaphore, #tpu.memory_space<semaphore_mem>>
    tpu.wait_indirect_dma semaphore(%dma_wait3A_121 : memref<!tpu.dma_semaphore, #tpu.memory_space<semaphore_mem>>) src(%dma_wait3A_119 : memref<1000000x64xf32, #tpu.memory_space<hbm>>) dst(%dma_wait3A_113 : memref<128x64xf32, #tpu.memory_space<vmem>>)
    %add3A_122 = arith.constant 25344 : i32
    %add3A_123 = arith.addi %mul3A_4, %add3A_122 : i32
    %dma_start3A_124 = arith.constant 0 : i32
    %dma_start3A_125 = arith.constant 0 : i32
    %dma_start3A_126 = arith.constant 0 : i32
    %dma_start3A_127 = arith.constant 0 : i32
    %dma_start3A_128 = tpu.memref_slice %arg6[%dma_start3A_124, %dma_start3A_126, %dma_start3A_127] : memref<6x128x64xf32, #tpu.memory_space<vmem>> -> memref<1x128x64xf32, #tpu.memory_space<vmem>>
    %dma_start3A_129 = tpu.memref_squeeze %dma_start3A_128 : memref<1x128x64xf32, #tpu.memory_space<vmem>> -> memref<128x64xf32, #tpu.memory_space<vmem>>
    %dma_start3A_130 = arith.constant 0 : i32
    %dma_start3A_131 = tpu.memref_slice %arg4[%add3A_123, %dma_start3A_130] : memref<819200x128xf32, #tpu.memory_space<hbm>> -> memref<128x64xf32, #tpu.memory_space<hbm>>
    %dma_start3A_132 = tpu.memref_slice %arg8[%dma_start3A_125] : memref<6x!tpu.dma_semaphore, #tpu.memory_space<semaphore_mem>> -> memref<1x!tpu.dma_semaphore, #tpu.memory_space<semaphore_mem>>
    %dma_start3A_133 = tpu.memref_squeeze %dma_start3A_132 : memref<1x!tpu.dma_semaphore, #tpu.memory_space<semaphore_mem>> -> memref<!tpu.dma_semaphore, #tpu.memory_space<semaphore_mem>>
    %dma_start3A_134 = arith.constant 0 : i32
    %dma_start3A_135 = tpu.memref_slice %arg4[%add3A_123, %dma_start3A_134] : memref<819200x128xf32, #tpu.memory_space<hbm>> -> memref<128x64xf32, #tpu.memory_space<hbm>>
    %dma_start3A_136 = arith.constant 0 : i32
    %dma_start3A_137 = arith.constant 0 : i32
    %dma_start3A_138 = tpu.memref_slice %arg6[%dma_start3A_124, %dma_start3A_136, %dma_start3A_137] : memref<6x128x64xf32, #tpu.memory_space<vmem>> -> memref<1x128x64xf32, #tpu.memory_space<vmem>>
    %dma_start3A_139 = tpu.memref_squeeze %dma_start3A_138 : memref<1x128x64xf32, #tpu.memory_space<vmem>> -> memref<128x64xf32, #tpu.memory_space<vmem>>
    tpu.enqueue_dma source(%dma_start3A_139 : memref<128x64xf32, #tpu.memory_space<vmem>>) target(%dma_start3A_135 : memref<128x64xf32, #tpu.memory_space<hbm>>) target_semaphore(%dma_start3A_133 : memref<!tpu.dma_semaphore, #tpu.memory_space<semaphore_mem>>)
    %dma_wait3A_140 = arith.constant 0 : i32
    %dma_wait3A_141 = arith.constant 1 : i32
    %dma_wait3A_142 = arith.constant 1 : i32
    %dma_wait3A_143 = arith.constant 0 : i32
    %dma_wait3A_144 = arith.constant 0 : i32
    %dma_wait3A_145 = tpu.memref_slice %arg6[%dma_wait3A_141, %dma_wait3A_143, %dma_wait3A_144] : memref<6x128x64xf32, #tpu.memory_space<vmem>> -> memref<1x128x64xf32, #tpu.memory_space<vmem>>
    %dma_wait3A_146 = tpu.memref_squeeze %dma_wait3A_145 : memref<1x128x64xf32, #tpu.memory_space<vmem>> -> memref<128x64xf32, #tpu.memory_space<vmem>>
    %dma_wait3A_147 = arith.constant 0 : i32
    %dma_wait3A_148 = tpu.memref_slice %arg5[%dma_wait3A_140, %dma_wait3A_147] : memref<200x128xi32, #tpu.memory_space<vmem>> -> memref<1x128xi32, #tpu.memory_space<vmem>>
    %dma_wait3A_149 = tpu.memref_squeeze %dma_wait3A_148 : memref<1x128xi32, #tpu.memory_space<vmem>> -> memref<128xi32, #tpu.memory_space<vmem>>
    %dma_wait3A_150 = arith.constant 0 : i32
    %dma_wait3A_151 = arith.constant 0 : i32
    %dma_wait3A_152 = tpu.memref_slice %arg3[%dma_wait3A_150, %dma_wait3A_151] : memref<1000000x64xf32, #tpu.memory_space<hbm>> -> memref<1000000x64xf32, #tpu.memory_space<hbm>>
    %dma_wait3A_153 = tpu.memref_slice %arg7[%dma_wait3A_142] : memref<6x!tpu.dma_semaphore, #tpu.memory_space<semaphore_mem>> -> memref<1x!tpu.dma_semaphore, #tpu.memory_space<semaphore_mem>>
    %dma_wait3A_154 = tpu.memref_squeeze %dma_wait3A_153 : memref<1x!tpu.dma_semaphore, #tpu.memory_space<semaphore_mem>> -> memref<!tpu.dma_semaphore, #tpu.memory_space<semaphore_mem>>
    tpu.wait_indirect_dma semaphore(%dma_wait3A_154 : memref<!tpu.dma_semaphore, #tpu.memory_space<semaphore_mem>>) src(%dma_wait3A_152 : memref<1000000x64xf32, #tpu.memory_space<hbm>>) dst(%dma_wait3A_146 : memref<128x64xf32, #tpu.memory_space<vmem>>)
    %add3A_155 = arith.constant 25472 : i32
    %add3A_156 = arith.addi %mul3A_4, %add3A_155 : i32
    %dma_start3A_157 = arith.constant 1 : i32
    %dma_start3A_158 = arith.constant 1 : i32
    %dma_start3A_159 = arith.constant 0 : i32
    %dma_start3A_160 = arith.constant 0 : i32
    %dma_start3A_161 = tpu.memref_slice %arg6[%dma_start3A_157, %dma_start3A_159, %dma_start3A_160] : memref<6x128x64xf32, #tpu.memory_space<vmem>> -> memref<1x128x64xf32, #tpu.memory_space<vmem>>
    %dma_start3A_162 = tpu.memref_squeeze %dma_start3A_161 : memref<1x128x64xf32, #tpu.memory_space<vmem>> -> memref<128x64xf32, #tpu.memory_space<vmem>>
    %dma_start3A_163 = arith.constant 0 : i32
    %dma_start3A_164 = tpu.memref_slice %arg4[%add3A_156, %dma_start3A_163] : memref<819200x128xf32, #tpu.memory_space<hbm>> -> memref<128x64xf32, #tpu.memory_space<hbm>>
    %dma_start3A_165 = tpu.memref_slice %arg8[%dma_start3A_158] : memref<6x!tpu.dma_semaphore, #tpu.memory_space<semaphore_mem>> -> memref<1x!tpu.dma_semaphore, #tpu.memory_space<semaphore_mem>>
    %dma_start3A_166 = tpu.memref_squeeze %dma_start3A_165 : memref<1x!tpu.dma_semaphore, #tpu.memory_space<semaphore_mem>> -> memref<!tpu.dma_semaphore, #tpu.memory_space<semaphore_mem>>
    %dma_start3A_167 = arith.constant 0 : i32
    %dma_start3A_168 = tpu.memref_slice %arg4[%add3A_156, %dma_start3A_167] : memref<819200x128xf32, #tpu.memory_space<hbm>> -> memref<128x64xf32, #tpu.memory_space<hbm>>
    %dma_start3A_169 = arith.constant 0 : i32
    %dma_start3A_170 = arith.constant 0 : i32
    %dma_start3A_171 = tpu.memref_slice %arg6[%dma_start3A_157, %dma_start3A_169, %dma_start3A_170] : memref<6x128x64xf32, #tpu.memory_space<vmem>> -> memref<1x128x64xf32, #tpu.memory_space<vmem>>
    %dma_start3A_172 = tpu.memref_squeeze %dma_start3A_171 : memref<1x128x64xf32, #tpu.memory_space<vmem>> -> memref<128x64xf32, #tpu.memory_space<vmem>>
    tpu.enqueue_dma source(%dma_start3A_172 : memref<128x64xf32, #tpu.memory_space<vmem>>) target(%dma_start3A_168 : memref<128x64xf32, #tpu.memory_space<hbm>>) target_semaphore(%dma_start3A_166 : memref<!tpu.dma_semaphore, #tpu.memory_space<semaphore_mem>>)
    %dma_wait3A_173 = arith.constant 2 : i32
    %dma_wait3A_174 = arith.constant 2 : i32
    %dma_wait3A_175 = arith.constant 0 : i32
    %dma_wait3A_176 = arith.constant 0 : i32
    %dma_wait3A_177 = tpu.memref_slice %arg6[%dma_wait3A_173, %dma_wait3A_175, %dma_wait3A_176] : memref<6x128x64xf32, #tpu.memory_space<vmem>> -> memref<1x128x64xf32, #tpu.memory_space<vmem>>
    %dma_wait3A_178 = tpu.memref_squeeze %dma_wait3A_177 : memref<1x128x64xf32, #tpu.memory_space<vmem>> -> memref<128x64xf32, #tpu.memory_space<vmem>>
    %dma_wait3A_179 = arith.constant 0 : i32
    %dma_wait3A_180 = tpu.memref_slice %arg4[%mul3A_4, %dma_wait3A_179] : memref<819200x128xf32, #tpu.memory_space<hbm>> -> memref<128x64xf32, #tpu.memory_space<hbm>>
    %dma_wait3A_181 = tpu.memref_slice %arg8[%dma_wait3A_174] : memref<6x!tpu.dma_semaphore, #tpu.memory_space<semaphore_mem>> -> memref<1x!tpu.dma_semaphore, #tpu.memory_space<semaphore_mem>>
    %dma_wait3A_182 = tpu.memref_squeeze %dma_wait3A_181 : memref<1x!tpu.dma_semaphore, #tpu.memory_space<semaphore_mem>> -> memref<!tpu.dma_semaphore, #tpu.memory_space<semaphore_mem>>
    %dma_wait3A_183 = arith.constant 0 : i32
    %dma_wait3A_184 = tpu.memref_slice %arg4[%mul3A_4, %dma_wait3A_183] : memref<819200x128xf32, #tpu.memory_space<hbm>> -> memref<128x64xf32, #tpu.memory_space<hbm>>
    %dma_wait3A_185 = arith.constant 0 : i32
    %dma_wait3A_186 = arith.constant 0 : i32
    %dma_wait3A_187 = tpu.memref_slice %arg6[%dma_wait3A_173, %dma_wait3A_185, %dma_wait3A_186] : memref<6x128x64xf32, #tpu.memory_space<vmem>> -> memref<1x128x64xf32, #tpu.memory_space<vmem>>
    %dma_wait3A_188 = tpu.memref_squeeze %dma_wait3A_187 : memref<1x128x64xf32, #tpu.memory_space<vmem>> -> memref<128x64xf32, #tpu.memory_space<vmem>>
    tpu.wait_dma2 semaphore(%dma_wait3A_182 : memref<!tpu.dma_semaphore, #tpu.memory_space<semaphore_mem>>) src(%dma_wait3A_188 : memref<128x64xf32, #tpu.memory_space<vmem>>) dst(%dma_wait3A_184 : memref<128x64xf32, #tpu.memory_space<hbm>>)
    %dma_wait3A_189 = arith.constant 3 : i32
    %dma_wait3A_190 = arith.constant 3 : i32
    %dma_wait3A_191 = arith.constant 0 : i32
    %dma_wait3A_192 = arith.constant 0 : i32
    %dma_wait3A_193 = tpu.memref_slice %arg6[%dma_wait3A_189, %dma_wait3A_191, %dma_wait3A_192] : memref<6x128x64xf32, #tpu.memory_space<vmem>> -> memref<1x128x64xf32, #tpu.memory_space<vmem>>
    %dma_wait3A_194 = tpu.memref_squeeze %dma_wait3A_193 : memref<1x128x64xf32, #tpu.memory_space<vmem>> -> memref<128x64xf32, #tpu.memory_space<vmem>>
    %dma_wait3A_195 = arith.constant 0 : i32
    %dma_wait3A_196 = tpu.memref_slice %arg4[%mul3A_4, %dma_wait3A_195] : memref<819200x128xf32, #tpu.memory_space<hbm>> -> memref<128x64xf32, #tpu.memory_space<hbm>>
    %dma_wait3A_197 = tpu.memref_slice %arg8[%dma_wait3A_190] : memref<6x!tpu.dma_semaphore, #tpu.memory_space<semaphore_mem>> -> memref<1x!tpu.dma_semaphore, #tpu.memory_space<semaphore_mem>>
    %dma_wait3A_198 = tpu.memref_squeeze %dma_wait3A_197 : memref<1x!tpu.dma_semaphore, #tpu.memory_space<semaphore_mem>> -> memref<!tpu.dma_semaphore, #tpu.memory_space<semaphore_mem>>
    %dma_wait3A_199 = arith.constant 0 : i32
    %dma_wait3A_200 = tpu.memref_slice %arg4[%mul3A_4, %dma_wait3A_199] : memref<819200x128xf32, #tpu.memory_space<hbm>> -> memref<128x64xf32, #tpu.memory_space<hbm>>
    %dma_wait3A_201 = arith.constant 0 : i32
    %dma_wait3A_202 = arith.constant 0 : i32
    %dma_wait3A_203 = tpu.memref_slice %arg6[%dma_wait3A_189, %dma_wait3A_201, %dma_wait3A_202] : memref<6x128x64xf32, #tpu.memory_space<vmem>> -> memref<1x128x64xf32, #tpu.memory_space<vmem>>
    %dma_wait3A_204 = tpu.memref_squeeze %dma_wait3A_203 : memref<1x128x64xf32, #tpu.memory_space<vmem>> -> memref<128x64xf32, #tpu.memory_space<vmem>>
    tpu.wait_dma2 semaphore(%dma_wait3A_198 : memref<!tpu.dma_semaphore, #tpu.memory_space<semaphore_mem>>) src(%dma_wait3A_204 : memref<128x64xf32, #tpu.memory_space<vmem>>) dst(%dma_wait3A_200 : memref<128x64xf32, #tpu.memory_space<hbm>>)
    %dma_wait3A_205 = arith.constant 4 : i32
    %dma_wait3A_206 = arith.constant 4 : i32
    %dma_wait3A_207 = arith.constant 0 : i32
    %dma_wait3A_208 = arith.constant 0 : i32
    %dma_wait3A_209 = tpu.memref_slice %arg6[%dma_wait3A_205, %dma_wait3A_207, %dma_wait3A_208] : memref<6x128x64xf32, #tpu.memory_space<vmem>> -> memref<1x128x64xf32, #tpu.memory_space<vmem>>
    %dma_wait3A_210 = tpu.memref_squeeze %dma_wait3A_209 : memref<1x128x64xf32, #tpu.memory_space<vmem>> -> memref<128x64xf32, #tpu.memory_space<vmem>>
    %dma_wait3A_211 = arith.constant 0 : i32
    %dma_wait3A_212 = tpu.memref_slice %arg4[%mul3A_4, %dma_wait3A_211] : memref<819200x128xf32, #tpu.memory_space<hbm>> -> memref<128x64xf32, #tpu.memory_space<hbm>>
    %dma_wait3A_213 = tpu.memref_slice %arg8[%dma_wait3A_206] : memref<6x!tpu.dma_semaphore, #tpu.memory_space<semaphore_mem>> -> memref<1x!tpu.dma_semaphore, #tpu.memory_space<semaphore_mem>>
    %dma_wait3A_214 = tpu.memref_squeeze %dma_wait3A_213 : memref<1x!tpu.dma_semaphore, #tpu.memory_space<semaphore_mem>> -> memref<!tpu.dma_semaphore, #tpu.memory_space<semaphore_mem>>
    %dma_wait3A_215 = arith.constant 0 : i32
    %dma_wait3A_216 = tpu.memref_slice %arg4[%mul3A_4, %dma_wait3A_215] : memref<819200x128xf32, #tpu.memory_space<hbm>> -> memref<128x64xf32, #tpu.memory_space<hbm>>
    %dma_wait3A_217 = arith.constant 0 : i32
    %dma_wait3A_218 = arith.constant 0 : i32
    %dma_wait3A_219 = tpu.memref_slice %arg6[%dma_wait3A_205, %dma_wait3A_217, %dma_wait3A_218] : memref<6x128x64xf32, #tpu.memory_space<vmem>> -> memref<1x128x64xf32, #tpu.memory_space<vmem>>
    %dma_wait3A_220 = tpu.memref_squeeze %dma_wait3A_219 : memref<1x128x64xf32, #tpu.memory_space<vmem>> -> memref<128x64xf32, #tpu.memory_space<vmem>>
    tpu.wait_dma2 semaphore(%dma_wait3A_214 : memref<!tpu.dma_semaphore, #tpu.memory_space<semaphore_mem>>) src(%dma_wait3A_220 : memref<128x64xf32, #tpu.memory_space<vmem>>) dst(%dma_wait3A_216 : memref<128x64xf32, #tpu.memory_space<hbm>>)
    %dma_wait3A_221 = arith.constant 5 : i32
    %dma_wait3A_222 = arith.constant 5 : i32
    %dma_wait3A_223 = arith.constant 0 : i32
    %dma_wait3A_224 = arith.constant 0 : i32
    %dma_wait3A_225 = tpu.memref_slice %arg6[%dma_wait3A_221, %dma_wait3A_223, %dma_wait3A_224] : memref<6x128x64xf32, #tpu.memory_space<vmem>> -> memref<1x128x64xf32, #tpu.memory_space<vmem>>
    %dma_wait3A_226 = tpu.memref_squeeze %dma_wait3A_225 : memref<1x128x64xf32, #tpu.memory_space<vmem>> -> memref<128x64xf32, #tpu.memory_space<vmem>>
    %dma_wait3A_227 = arith.constant 0 : i32
    %dma_wait3A_228 = tpu.memref_slice %arg4[%mul3A_4, %dma_wait3A_227] : memref<819200x128xf32, #tpu.memory_space<hbm>> -> memref<128x64xf32, #tpu.memory_space<hbm>>
    %dma_wait3A_229 = tpu.memref_slice %arg8[%dma_wait3A_222] : memref<6x!tpu.dma_semaphore, #tpu.memory_space<semaphore_mem>> -> memref<1x!tpu.dma_semaphore, #tpu.memory_space<semaphore_mem>>
    %dma_wait3A_230 = tpu.memref_squeeze %dma_wait3A_229 : memref<1x!tpu.dma_semaphore, #tpu.memory_space<semaphore_mem>> -> memref<!tpu.dma_semaphore, #tpu.memory_space<semaphore_mem>>
    %dma_wait3A_231 = arith.constant 0 : i32
    %dma_wait3A_232 = tpu.memref_slice %arg4[%mul3A_4, %dma_wait3A_231] : memref<819200x128xf32, #tpu.memory_space<hbm>> -> memref<128x64xf32, #tpu.memory_space<hbm>>
    %dma_wait3A_233 = arith.constant 0 : i32
    %dma_wait3A_234 = arith.constant 0 : i32
    %dma_wait3A_235 = tpu.memref_slice %arg6[%dma_wait3A_221, %dma_wait3A_233, %dma_wait3A_234] : memref<6x128x64xf32, #tpu.memory_space<vmem>> -> memref<1x128x64xf32, #tpu.memory_space<vmem>>
    %dma_wait3A_236 = tpu.memref_squeeze %dma_wait3A_235 : memref<1x128x64xf32, #tpu.memory_space<vmem>> -> memref<128x64xf32, #tpu.memory_space<vmem>>
    tpu.wait_dma2 semaphore(%dma_wait3A_230 : memref<!tpu.dma_semaphore, #tpu.memory_space<semaphore_mem>>) src(%dma_wait3A_236 : memref<128x64xf32, #tpu.memory_space<vmem>>) dst(%dma_wait3A_232 : memref<128x64xf32, #tpu.memory_space<hbm>>)
    %dma_wait3A_237 = arith.constant 0 : i32
    %dma_wait3A_238 = arith.constant 0 : i32
    %dma_wait3A_239 = arith.constant 0 : i32
    %dma_wait3A_240 = arith.constant 0 : i32
    %dma_wait3A_241 = tpu.memref_slice %arg6[%dma_wait3A_237, %dma_wait3A_239, %dma_wait3A_240] : memref<6x128x64xf32, #tpu.memory_space<vmem>> -> memref<1x128x64xf32, #tpu.memory_space<vmem>>
    %dma_wait3A_242 = tpu.memref_squeeze %dma_wait3A_241 : memref<1x128x64xf32, #tpu.memory_space<vmem>> -> memref<128x64xf32, #tpu.memory_space<vmem>>
    %dma_wait3A_243 = arith.constant 0 : i32
    %dma_wait3A_244 = tpu.memref_slice %arg4[%mul3A_4, %dma_wait3A_243] : memref<819200x128xf32, #tpu.memory_space<hbm>> -> memref<128x64xf32, #tpu.memory_space<hbm>>
    %dma_wait3A_245 = tpu.memref_slice %arg8[%dma_wait3A_238] : memref<6x!tpu.dma_semaphore, #tpu.memory_space<semaphore_mem>> -> memref<1x!tpu.dma_semaphore, #tpu.memory_space<semaphore_mem>>
    %dma_wait3A_246 = tpu.memref_squeeze %dma_wait3A_245 : memref<1x!tpu.dma_semaphore, #tpu.memory_space<semaphore_mem>> -> memref<!tpu.dma_semaphore, #tpu.memory_space<semaphore_mem>>
    %dma_wait3A_247 = arith.constant 0 : i32
    %dma_wait3A_248 = tpu.memref_slice %arg4[%mul3A_4, %dma_wait3A_247] : memref<819200x128xf32, #tpu.memory_space<hbm>> -> memref<128x64xf32, #tpu.memory_space<hbm>>
    %dma_wait3A_249 = arith.constant 0 : i32
    %dma_wait3A_250 = arith.constant 0 : i32
    %dma_wait3A_251 = tpu.memref_slice %arg6[%dma_wait3A_237, %dma_wait3A_249, %dma_wait3A_250] : memref<6x128x64xf32, #tpu.memory_space<vmem>> -> memref<1x128x64xf32, #tpu.memory_space<vmem>>
    %dma_wait3A_252 = tpu.memref_squeeze %dma_wait3A_251 : memref<1x128x64xf32, #tpu.memory_space<vmem>> -> memref<128x64xf32, #tpu.memory_space<vmem>>
    tpu.wait_dma2 semaphore(%dma_wait3A_246 : memref<!tpu.dma_semaphore, #tpu.memory_space<semaphore_mem>>) src(%dma_wait3A_252 : memref<128x64xf32, #tpu.memory_space<vmem>>) dst(%dma_wait3A_248 : memref<128x64xf32, #tpu.memory_space<hbm>>)
    %dma_wait3A_253 = arith.constant 1 : i32
    %dma_wait3A_254 = arith.constant 1 : i32
    %dma_wait3A_255 = arith.constant 0 : i32
    %dma_wait3A_256 = arith.constant 0 : i32
    %dma_wait3A_257 = tpu.memref_slice %arg6[%dma_wait3A_253, %dma_wait3A_255, %dma_wait3A_256] : memref<6x128x64xf32, #tpu.memory_space<vmem>> -> memref<1x128x64xf32, #tpu.memory_space<vmem>>
    %dma_wait3A_258 = tpu.memref_squeeze %dma_wait3A_257 : memref<1x128x64xf32, #tpu.memory_space<vmem>> -> memref<128x64xf32, #tpu.memory_space<vmem>>
    %dma_wait3A_259 = arith.constant 0 : i32
    %dma_wait3A_260 = tpu.memref_slice %arg4[%mul3A_4, %dma_wait3A_259] : memref<819200x128xf32, #tpu.memory_space<hbm>> -> memref<128x64xf32, #tpu.memory_space<hbm>>
    %dma_wait3A_261 = tpu.memref_slice %arg8[%dma_wait3A_254] : memref<6x!tpu.dma_semaphore, #tpu.memory_space<semaphore_mem>> -> memref<1x!tpu.dma_semaphore, #tpu.memory_space<semaphore_mem>>
    %dma_wait3A_262 = tpu.memref_squeeze %dma_wait3A_261 : memref<1x!tpu.dma_semaphore, #tpu.memory_space<semaphore_mem>> -> memref<!tpu.dma_semaphore, #tpu.memory_space<semaphore_mem>>
    %dma_wait3A_263 = arith.constant 0 : i32
    %dma_wait3A_264 = tpu.memref_slice %arg4[%mul3A_4, %dma_wait3A_263] : memref<819200x128xf32, #tpu.memory_space<hbm>> -> memref<128x64xf32, #tpu.memory_space<hbm>>
    %dma_wait3A_265 = arith.constant 0 : i32
    %dma_wait3A_266 = arith.constant 0 : i32
    %dma_wait3A_267 = tpu.memref_slice %arg6[%dma_wait3A_253, %dma_wait3A_265, %dma_wait3A_266] : memref<6x128x64xf32, #tpu.memory_space<vmem>> -> memref<1x128x64xf32, #tpu.memory_space<vmem>>
    %dma_wait3A_268 = tpu.memref_squeeze %dma_wait3A_267 : memref<1x128x64xf32, #tpu.memory_space<vmem>> -> memref<128x64xf32, #tpu.memory_space<vmem>>
    tpu.wait_dma2 semaphore(%dma_wait3A_262 : memref<!tpu.dma_semaphore, #tpu.memory_space<semaphore_mem>>) src(%dma_wait3A_268 : memref<128x64xf32, #tpu.memory_space<vmem>>) dst(%dma_wait3A_264 : memref<128x64xf32, #tpu.memory_space<hbm>>)
    return
  }
}

</mosaic_0001>

<sc_bundles>
// kernel: kernel.3.cloned.1.call-start
scs
__scs_entry_jumppad:
0x0: {  	(pc) =	sbr.rel $0x88, $3  }
0x1: {  	(tag) =	ssettag $0x0;
	lr =	simm.s32 $0x1  }
0x2: {  	[smem:$0x3F9F] =	sst lr;
	_ =	strace $0xD0000000  }
0x3: {  	_ = 	snop  }
0x4: {  	_ = 	snop  }
0x5: {  	_ = 	snop  }
0x6: {  	_ = 	snop  }
0x7: {  	_ = 	snop  }
__scs_overlays_trampoline_lowered:
0x8: {  	[smem:$0x3FAE] =	sst s0  }
0x9: {  	[smem:$0x3FAF] =	sst s1  }
0xa: {  	[smem:$0x3FB0] =	sst s2  }
0xb: {  	[smem:$0x3FB1] =	sst s3  }
0xc: {  	[smem:$0x3FB2] =	sst s4  }
0xd: {  	[smem:$0x3FB3] =	sst s5  }
0xe: {  	[smem:$0x3FB4] =	sst s6  }
0xf: {  	[smem:$0x3FB5] =	sst s7  }
0x10: {  	[smem:$0x3FB6] =	sst s8  }
0x11: {  	[smem:$0x3FB7] =	sst s9;
	s0 =	simm.s32 @!p0 $0x0  }
0x12: {  	s1 =	sld [smem:$0x3F9D];
	s0 =	simm.s32 @p0 $0x1  }
0x13: {  	[smem:$0x3FB8] =	sst s0;
	s0 =	simm.s32 @!p1 $0x0  }
0x14: {  	s2 =	sld [smem:$0x3F9C];
	s0 =	simm.s32 @p1 $0x1  }
0x15: {  	[smem:$0x3FB9] =	sst s0;
	s0 =	simm.s32 @!p2 $0x0  }
0x16: {  	s3 =	sld [smem:$0x3FDB];
	s0 =	simm.s32 @p2 $0x1  }
0x17: {  	s4 =	simm.s32 $0x1BF5;
	[smem:$0x3FBB] =	sst s0  }
0x18: {  	s0 =	sld [smem:$0x3F9E];
	_ =	swait.ge [sflag:s4], $0x0  }
0x19: {  	s7 =	sld [smem:$0x3F9F]  }
0x1a: {  	s8 =	sadd.s32 $0xFFFFE003, lr  }
0x1b: {  	s9 =	sadd.s32 $0xFFFFFEF7, lr;
	s5 =	simm.s32 $0xFFFFFFFF;
	p2 =	slt.u32 s8, $0xFFFFF086  }
0x1c: {  	p1 =	slt.u32 s9, $0xF7A;
	s5 =	simm.s32 @!p2 $0x0  }
0x1d: {  	s5 =	simm.s32 @p1 $0x1;
	p0 =	seq.s32 s7, s2  }
0x1e: {  	s7 =	smul.u32 @!p0 $0xF7A, s2;
	p2 =	seq.s32 @!p0 s5, $0x0  }
0x1f: {  	s9 =	smul.u32 $0xF7A, s1;
	s8 =	simm.s32 @!p0 $0x1BF5;
	p2 =	por !p2, p0  }
0x20: {  	[sflag:s8] =	ssyncset.s32 @!p0 $0xFFFFF086;
	s6 =	sadd.s32 @!p0 s3, s7;
	s7 =	simm.s32 @!p0 $0x108  }
0x21: {  	s3 =	sadd.s32 s3, s9;
	s6 =	sadd.s32 @!p0 $0x88, s6;
	s7 =	simm.s32 @p2 $0x1082  }
0x22: {  	[simem:s7], [sflag:s8] =	dma.local @!p0 [hbm:s6], $0xF7A  }
0x23: {  	s9 =	sor.u32 $0xD0000000, s2;
	s6 =	simm.s32 $0x108;
	_ =	swait.ge @!p0 [sflag:s8], $0x0  }
0x24: {  	s3 =	sadd.s32 $0x88, s3;
	s6 =	simm.s32 @!p1 $0x1082;
	[sflag:s4] =	ssyncset.s32 $0xFFFFF086  }
0x25: {  	[simem:s6], [sflag:s4] =	dma.local [hbm:s3], $0xF7A  }
0x26: {  	[smem:$0x3F9F] =	sst s1;
	(tag) =	ssettag s2;
	_ =	strace s9  }
0x27: {  	s1 =	sld [smem:$0x3FAF]  }
0x28: {  	s2 =	sld [smem:$0x3FB0]  }
0x29: {  	s4 =	sld [smem:$0x3FB2]  }
0x2a: {  	p0 =	seq.s32 s5, $0x0;
	s5 =	sld [smem:$0x3FB3]  }
0x2b: {  	s6 =	sld [smem:$0x3FB4]  }
0x2c: {  	s7 =	sld [smem:$0x3FB5]  }
0x2d: {  	s3 =	simm.s32 $0x108;
	s8 =	sld [smem:$0x3FB6]  }
0x2e: {  	s3 =	simm.s32 @!p0 $0x1082;
	s9 =	sld [smem:$0x3FB7]  }
0x2f: {  	lr =	sadd.s32 s0, s3;
	s0 =	sld [smem:$0x3FAE]  }
0x30: {  	s3 =	sld [smem:$0x3FB1]  }
0x31: {  	[smem:$0x3FBA] =	sst s10  }
0x32: {  	s10 =	sld [smem:$0x3FB8];
	_ =	sdelay $0x3  }
0x33: {  	p0 =	seq.s32 s10, $0x1;
	s10 =	sld [smem:$0x3FBA];
	_ =	sdelay $0x3  }
0x34: {  	[smem:$0x3FBA] =	sst s10  }
0x35: {  	s10 =	sld [smem:$0x3FB9];
	_ =	sdelay $0x3  }
0x36: {  	p1 =	seq.s32 s10, $0x1;
	s10 =	sld [smem:$0x3FBA];
	_ =	sdelay $0x3  }
0x37: {  	[smem:$0x3FBA] =	sst s10  }
0x38: {  	s10 =	sld [smem:$0x3FBB]  }
0x39: {  	_ = 	snop;
	(pc) =	sbr.ind lr, $3  }
0x3a: {  	_ = 	snop  }
0x3b: {  	_ = 	snop  }
0x3c: {  	p2 =	seq.s32 s10, $0x1;
	s10 =	sld [smem:$0x3FBA]  }
0x3d: {  	_ =	shalt  }
0x3e: {  	_ =	shalt  }
0x3f: {  	_ =	shalt  }
0x40: {  	_ =	shalt  }
0x41: {  	_ =	shalt  }
0x42: {  	_ =	shalt  }
0x43: {  	_ =	shalt  }
0x44: {  	_ =	shalt  }
0x45: {  	_ =	shalt  }
0x46: {  	_ =	shalt  }
0x47: {  	_ =	shalt  }
0x48: {  	_ =	shalt  }
0x49: {  	_ =	shalt  }
0x4a: {  	_ =	shalt  }
0x4b: {  	_ =	shalt  }
0x4c: {  	_ =	shalt  }
0x4d: {  	_ =	shalt  }
0x4e: {  	_ =	shalt  }
0x4f: {  	_ =	shalt  }
0x50: {  	_ =	shalt  }
0x51: {  	_ =	shalt  }
0x52: {  	_ =	shalt  }
0x53: {  	_ =	shalt  }
0x54: {  	_ =	shalt  }
0x55: {  	_ =	shalt  }
0x56: {  	_ =	shalt  }
0x57: {  	_ =	shalt  }
0x58: {  	_ =	shalt  }
0x59: {  	_ =	shalt  }
0x5a: {  	_ =	shalt  }
0x5b: {  	_ =	shalt  }
0x5c: {  	_ =	shalt  }
0x5d: {  	_ =	shalt  }
0x5e: {  	_ =	shalt  }
0x5f: {  	_ =	shalt  }
0x60: {  	_ =	shalt  }
0x61: {  	_ =	shalt  }
0x62: {  	_ =	shalt  }
0x63: {  	_ =	shalt  }
0x64: {  	_ =	shalt  }
0x65: {  	_ =	shalt  }
0x66: {  	_ =	shalt  }
0x67: {  	_ =	shalt  }
0x68: {  	_ =	shalt  }
0x69: {  	_ =	shalt  }
0x6a: {  	_ =	shalt  }
0x6b: {  	_ =	shalt  }
0x6c: {  	_ =	shalt  }
0x6d: {  	_ =	shalt  }
0x6e: {  	_ =	shalt  }
0x6f: {  	_ =	shalt  }
0x70: {  	_ =	shalt  }
0x71: {  	_ =	shalt  }
0x72: {  	_ =	shalt  }
0x73: {  	_ =	shalt  }
0x74: {  	_ =	shalt  }
0x75: {  	_ =	shalt  }
0x76: {  	_ =	shalt  }
0x77: {  	_ =	shalt  }
0x78: {  	_ =	shalt  }
0x79: {  	_ =	shalt  }
0x7a: {  	_ =	shalt  }
0x7b: {  	_ =	shalt  }
0x7c: {  	_ =	shalt  }
0x7d: {  	_ =	shalt  }
0x7e: {  	_ =	shalt  }
0x7f: {  	_ =	shalt  }
0x80: {  	_ =	shalt  }
0x81: {  	_ =	shalt  }
0x82: {  	_ =	shalt  }
0x83: {  	_ =	shalt  }
0x84: {  	_ =	shalt  }
0x85: {  	_ =	shalt  }
0x86: {  	_ =	shalt  }
0x87: {  	_ =	shalt  }
.Lfunc_end0:
.L_simem_size_0:
called_computation.1_lowered:
.L_overlay_start_0:
0x88: {  	s2 =	sld [smem:$0x3FD9]  }
0x89: {  	s3 =	sld [smem:$0x3FFE];
	_ =	sdelay $0x1  }
0x8a: {  	s1 =	srdreg.scid  }
0x8b: {  	s0 =	sand.u32 $0x1, s1  }
0x8c: {  	s17 =	sshll.u32 s0, $0xA;
	s2 =	sadd.s32 s3, s2  }
0x8d: {  	s2 =	sadd.s32 s2, s17  }
0x8e: {  	[smem:$0x3FC6] =	sst s2  }
0x8f: {  	_ = 	snop  }
0x90: {  	s2 =	sld [smem:$0x3FD0];
	(tm) =	ssettm $0x1  }
0x91: {  	s18 =	sld [smem:$0x3FFB];
	_ =	sdelay $0x3  }
0x92: {  	_ =	strace s18  }
0x93: {  	s3 =	sld [smem:$0x3FFC];
	_ =	sdelay $0x3  }
0x94: {  	_ =	strace s3  }
0x95: {  	s3 =	sld [smem:$0x3FFD];
	_ =	sdelay $0x3  }
0x96: {  	_ =	strace s3  }
0x97: {  	_ =	strace $0x8FFFFFFF  }
0x98: {  	s19 =	sld [smem:$0x3FDB];
	_ =	sdelay $0x1  }
0x99: {  	s4 =	simm.s32 $_scs_section_size  }
0x9a: {  	s5 =	simm.s32 $_size__tile_overlayer_lowered;
	s6 =	simm.s32 $_tile_overlayer_lowered  }
0x9b: {  	s22 =	simm.s32 $0x1BFF;
	s21 =	sshll.u32 s6, $0x1;
	s3 =	sadd.s32 s4, s19  }
0x9c: {  	s7 =	simm.s32 $0x0;
	s20 =	sshll.u32 s5, $0x1;
	s5 =	sadd.s32 s21, s3  }
0x9d: {  	[timem:s7], [sflag:s22] =	dma.local [hbm:s5], s20  }
0x9e: {  	_ =	swait.ge [sflag:s22], s20  }
0x9f: {  	s4 =	ssub.s32 $0x0, s20;
	[sflag:s22] =	ssyncset.done $0x0  }
0xa0: {  	[sflag:s22] =	ssyncadd.s32 s4;
	_ =	sdelay $0x1  }
0xa1: {  	s23 =	simm.s32 $0x1B8B  }
0xa2: {  	_ =	swait.ge [sflag:s23], $0x1  }
0xa3: {  	[sflag:s23] =	ssyncset.done $0x0  }
0xa4: {  	s25 =	simm.s32 $0x1B8E;
	s24 =	sld [smem:$0x3FFE];
	[sflag:s23] =	ssyncadd.s32 $0xFFFFFFFF  }
0xa5: {  	s26 =	simm.s32 $execute0_lowered;
	[smem:$0x3FD2] =	sst s25  }
0xa6: {  	s5 =	sshll.u32 s26, $0x1;
	_ =	strace $0x80000046;
	[dreg:$0x1] =	wrdreg $0xFFFFFFFF  }
0xa7: {  	s28 =	simm.s32 $_size_execute0_lowered;
	s3 =	sadd.s32 s3, s5;
	[dreg:$0x0] =	wrdreg $0x0  }
0xa8: {  	s5 =	sshll.u32 s28, $0x1;
	[dreg:$0x2] =	wrdreg s3  }
0xa9: {  	[dreg:$0x3] =	wrdreg s5  }
0xaa: {  	[dreg:$0x4] =	wrdreg $0xC0  }
0xab: {  	_ =	task [dreg:s7], $0x5FFFF  }
0xac: {  	[dreg:$0x1] =	wrdreg $0xFFFFFFFF  }
0xad: {  	[dreg:$0x0] =	wrdreg $0x60  }
0xae: {  	[dreg:$0x2] =	wrdreg s2  }
0xaf: {  	[dreg:$0x3] =	wrdreg s24  }
0xb0: {  	[dreg:$0x4] =	wrdreg $0x9  }
0xb1: {  	_ =	task.clear_ibuf [dreg:s7], $0x5FFFF;
	_ =	strace $0x90000046  }
0xb2: {  	s29 =	simm.s32 $0x9;
	_ =	strace $0x80000048  }
0xb3: {  	_ =	swait.ge [sflag:s29], $0x1  }
0xb4: {  	[sflag:s29] =	ssyncadd.s32 $0xFFFFFFFF  }
0xb5: {  	_ =	strace $0x90000048  }
0xb6: {  	_ =	sfence  }
0xb7: {  	s30 =	sld [smem:$0x0];
	_ =	sdelay $0x2  }
0xb8: {  	s31 =	sshll.u32 s1, $0xD;
	s1 =	sshrl.u32 s1, $0x2  }
0xb9: {  	s3 =	sand.u32 $0x4000, s31;
	s1 =	sadd.s32 s1, s30  }
0xba: {  	s0 =	sor.u32 s3, s0;
	s1 =	sshll.u32 s1, $0x11  }
0xbb: {  	s0 =	sor.u32 s1, s0  }
0xbc: {  	s0 =	sadd.s32 $0x8F2B, s0  }
0xbd: {  	[sflag:s0] =	ssyncadd.remote.s32 $0x1  }
0xbe: {  	_ =	sfence.sel $0xFFFF  }
0xbf: {  	[dreg:$0x0] =	wrdreg $0xFFFFFFFF;
	(pc) =	sbr.abs _section_cstart, $3  }
0xc0: {  	[dreg:$0x1] =	wrdreg $0xFFFFFFFF  }
0xc1: {  	_ =	task.clear_ibuf [dreg:s7], $0x2FFFF;
	_ =	strace $0x9FFFFFFF  }
0xc2: {  	(tm) =	ssettm $0x7FFFFFFF  }
0xc3: {  	_ =	shalt  }
tec
execute0_lowered:
.L_overlay_start_1:
0x0: {  	(tag) =	ssettag $0x1  }
0x1: {  	s0 =	rddreg [dreg:$0x0]  }
0x2: {  	s1 =	rddreg [dreg:$0x1]  }
0x3: {  	s2 =	srdreg.scid;
	s8 =	stileid.u32  }
0x4: {  	s4 =	simm.s32 $0x0;
	s13 =	simm.s32 $0xD;
	s14 =	simm.s32 $0x80  }
0x5: {  	s15 =	simm.s32 $0x40;
	s16 =	simm.s32 $0x4;
	s18 =	simm.s32 $0x5  }
0x6: {  	s20 =	simm.s32 $0x6;
	s22 =	simm.s32 $0x1;
	s28 =	simm.s32 $0xA  }
0x7: {  	s29 =	simm.s32 $0xB;
	s30 =	simm.s32 $0xC;
	s31 =	simm.s32 $0x7  }
0x8: {  	s2 =	sand.u32 $0x1, s2;
	s3 =	sshll.u32 s8, $0x1;
	[smem:$0x7FF] =	sst s4  }
0x9: {  	s4 =	sadd.s32 $0xA00, s1;
	s12 =	smul.u32 $0x640000, s8;
	s5 =	sor.u32 s2, s3  }
0xa: {  	_ =	strace $0x80000047;
	s23 =	ssub.s32 $0x2, s2;
	s6 =	smul.u32 $0x320000, s5  }
0xb: {  	s3 =	sadd.s32 $0xF42E00, s1;
	s7 =	sshrl.u32 s23, $0x1;
	s5 =	smul.u32 $0xC80, s5  }
0xc: {  	s25 =	smul.u32 $0x320000, s2;
	s1 =	ssub.s32 s23, s7;
	s6 =	sshrl.u32 s6, $0x3  }
0xd: {  	s0 =	sadd.s32 s0, s5;
	s11 =	smax.u32 s1, $0x1;
	s1 =	simm.s32 $0x0  }
.Ltmp0:
0xe: {  	s10 =	sadd.s32 s4, s6;
	[dreg:$0x3] =	wrdreg s0;
	(pc) =	sbr.rel .LBB2_1-.Ltmp0, $4  }
0xf: {  	s0 =	sadd.s32 s25, s12;
	s24 =	sadd.s32 $0x61800, s10;
	s26 =	sadd.s32 $0x62000, s10  }
0x10: {  	s8 =	sadd.s32 $0x62800, s10;
	s9 =	sadd.s32 $0x63000, s10;
	s10 =	sadd.s32 $0x63800, s10  }
0x11: {  	s17 =	sadd.s32 $0xFFFEC000, s0;
	s0 =	simm.s32 $0x8;
	[dreg:$0x4] =	wrdreg s24  }
0x12: {  	[dreg:$0x5] =	wrdreg s26;
	s24 =	simm.s32 $0x2;
	s26 =	simm.s32 $0x9  }
.LBB2_7:
0x13: {  	_ =	swait.ge [sflag:s16], $0x2000  }
0x14: {  	[sflag:s16] =	ssyncset.done $0x0  }
0x15: {  	s5 =	simm.s32 $0xC400;
	s2 =	rddreg [dreg:$0x4];
	[sflag:s16] =	ssyncadd.s32 $0xFFFFE000  }
0x16: {  	[hbm4b:s2+s15] =	stream.strided.scatter [tilespmem:s5], [sflag:$0xA], $0x2000, s14, s15, $0x38;
	[tilespmem:$0x12400] =	vst v63  }
0x17: {  	_ =	swait.ge [sflag:s18], $0x2000  }
0x18: {  	[sflag:s18] =	ssyncset.done $0x0  }
0x19: {  	s19 =	simm.s32 $0xE400;
	s12 =	rddreg [dreg:$0x5];
	[sflag:s18] =	ssyncadd.s32 $0xFFFFE000  }
0x1a: {  	[hbm4b:s12+s15] =	stream.strided.scatter [tilespmem:s19], [sflag:$0xB], $0x2000, s14, s15, $0x38;
	[tilespmem:$0x12400] =	vst v63  }
0x1b: {  	_ =	swait.ge [sflag:s20], $0x2000  }
0x1c: {  	[sflag:s20] =	ssyncset.done $0x0  }
0x1d: {  	s21 =	simm.s32 $0x10400;
	[sflag:s20] =	ssyncadd.s32 $0xFFFFE000  }
0x1e: {  	[hbm4b:s8+s15] =	stream.strided.scatter [tilespmem:s21], [sflag:$0xC], $0x2000, s14, s15, $0x38;
	[tilespmem:$0x12400] =	vst v63  }
0x1f: {  	_ =	swait.ge [sflag:s22], $0x2000  }
0x20: {  	[sflag:s22] =	ssyncset.done $0x0  }
0x21: {  	s23 =	simm.s32 $0x6400;
	[sflag:s22] =	ssyncadd.s32 $0xFFFFE000  }
0x22: {  	[hbm4b:s9+s15] =	stream.strided.scatter [tilespmem:s23], [sflag:$0x7], $0x2000, s14, s15, $0x38;
	[tilespmem:$0x12400] =	vst v63  }
0x23: {  	_ =	swait.ge [sflag:s24], $0x2000  }
0x24: {  	[sflag:s24] =	ssyncset.done $0x0  }
0x25: {  	s25 =	simm.s32 $0x8400;
	[sflag:s24] =	ssyncadd.s32 $0xFFFFE000  }
0x26: {  	[hbm4b:s10+s15] =	stream.strided.scatter [tilespmem:s25], [sflag:$0x8], $0x2000, s14, s15, $0x38;
	[tilespmem:$0x12400] =	vst v63  }
0x27: {  	_ =	swait.ge [sflag:s26], $0x2000  }
0x28: {  	[sflag:s26] =	ssyncset.done $0x0  }
0x29: {  	[sflag:s26] =	ssyncadd.s32 $0xFFFFE000  }
0x2a: {  	_ =	swait.ge [sflag:s28], $0x2000  }
0x2b: {  	[sflag:s28] =	ssyncset.done $0x0  }
0x2c: {  	[sflag:s28] =	ssyncadd.s32 $0xFFFFE000  }
0x2d: {  	_ =	swait.ge [sflag:s29], $0x2000  }
0x2e: {  	[sflag:s29] =	ssyncset.done $0x0  }
0x2f: {  	[sflag:s29] =	ssyncadd.s32 $0xFFFFE000  }
0x30: {  	_ =	swait.ge [sflag:s30], $0x2000  }
0x31: {  	[sflag:s30] =	ssyncset.done $0x0  }
0x32: {  	s1 =	sadd.s32 $0x1, s1;
	[sflag:s30] =	ssyncadd.s32 $0xFFFFE000  }
0x33: {  	p0 =	sne.s32 s1, s11;
	_ =	swait.ge [sflag:s31], $0x2000  }
.Ltmp1:
0x34: {  	[sflag:s31] =	ssyncset.done $0x0;
	(pc) =	sbr.rel @!p0 .LBB2_8-.Ltmp1, $4  }
0x35: {  	[sflag:s31] =	ssyncadd.s32 $0xFFFFE000  }
0x36: {  	_ =	swait.ge [sflag:s0], $0x2000  }
0x37: {  	[sflag:s0] =	ssyncset.done $0x0  }
0x38: {  	[sflag:s0] =	ssyncadd.s32 $0xFFFFE000  }
.LBB2_1:
.Ltmp2:
0x39: {  	s2 =	simm.s32 $0x0;
	s5 =	rddreg [dreg:$0x3];
	(pc) =	sbr.rel .LBB2_2-.Ltmp2, $4  }
0x3a: {  	[tilespmem:s2], [sflag:$0xD] =	stream.linear.gather [hbm4b:s5+s2], $0x6400, $0x38;
	[tilespmem:$0x12400] =	vst v63  }
0x3b: {  	s12 =	smov.u32 s17;
	_ =	swait.ge [sflag:s13], $0x6400  }
0x3c: {  	s19 =	simm.s32 $0x8400;
	s21 =	simm.s32 $0x0;
	[sflag:s13] =	ssyncset.done $0x0  }
0x3d: {  	s23 =	simm.s32 $0x0;
	s2 =	simm.s32 $0x2;
	[sflag:s13] =	ssyncadd.s32 $0xFFFF9C00  }
.LBB2_3:
0x3e: {  	s6 =	sadd.s32 $0x7, s5  }
0x3f: {  	s7 =	sadd.s32 $0xFFFFFCA9, s25;
	_ =	swait.ge [sflag:s6], $0x2000  }
0x40: {  	s7 =	sshrl.u32 s7, $0xA;
	[sflag:s6] =	ssyncset.done $0x0  }
0x41: {  	s7 =	sand.u32 $0x3F, s7;
	[sflag:s6] =	ssyncadd.s32 $0xFFFFE000;
	s6 =	sshll.u32 s5, $0xD  }
0x42: {  	s5 =	sadd.s32 $0x1, s5;
	s7 =	smul.u32 $0x6, s7;
	s6 =	sadd.s32 $0x6400, s6  }
0x43: {  	[tilespmem:s6], [sflag:s5] =	stream.indirect.gather [hbm4b:s3+s14], $0x40, s21, s14, $0xb8;
	[tilespmem:$0x12400] =	vst v63  }
0x44: {  	s6 =	ssub.s32 s23, s7  }
0x45: {  	s5 =	sadd.s32 $0xFFFFFFFB, s6  }
0x46: {  	s5 =	sand.u32 $0xFF, s5  }
0x47: {  	s7 =	sadd.s32 $0x1, s5  }
0x48: {  	_ =	swait.ge [sflag:s7], $0x2000  }
0x49: {  	s25 =	sadd.s32 $0xAB, s25;
	[sflag:s7] =	ssyncset.done $0x0  }
0x4a: {  	s6 =	sadd.s32 $0x7, s5;
	[sflag:s7] =	ssyncadd.s32 $0xFFFFE000;
	s7 =	sshrl.u32 s25, $0xA  }
0x4b: {  	s5 =	sshll.u32 s5, $0xD;
	s25 =	sshrl.u32 s12, $0x3;
	s7 =	sand.u32 $0x3F, s7  }
0x4c: {  	s5 =	sadd.s32 $0x6400, s5;
	s25 =	sadd.s32 s4, s25;
	s7 =	smul.u32 $0x6, s7  }
0x4d: {  	[hbm4b:s25+s15] =	stream.strided.scatter [tilespmem:s5], [sflag:s6], $0x2000, s14, s15, $0x38;
	[tilespmem:$0x12400] =	vst v63  }
0x4e: {  	s7 =	ssub.s32 s23, s7  }
0x4f: {  	s5 =	sadd.s32 $0x1, s7  }
0x50: {  	s5 =	sand.u32 $0xFF, s5  }
0x51: {  	s25 =	sadd.s32 $0x7, s5  }
0x52: {  	_ =	swait.ge [sflag:s25], $0x2000  }
0x53: {  	s7 =	sshll.u32 s5, $0xD;
	s5 =	sadd.s32 $0x1, s5;
	[sflag:s25] =	ssyncset.done $0x0  }
0x54: {  	s6 =	sadd.s32 $0x6400, s7;
	[sflag:s25] =	ssyncadd.s32 $0xFFFFE000;
	s25 =	sadd.s32 $0x80, s21  }
0x55: {  	[tilespmem:s6], [sflag:s5] =	stream.indirect.gather [hbm4b:s3+s14], $0x40, s25, s14, $0xb8;
	[tilespmem:$0x12400] =	vst v63  }
.LBB2_5:
0x56: {  	s5 =	sadd.s32 $0xFFFFFFFC, s23  }
0x57: {  	s6 =	smul.u32 $0xAB, s5;
	_ =	sdelay $0x1  }
0x58: {  	s6 =	sshrl.u32 s6, $0xA  }
0x59: {  	s6 =	sand.u32 $0x3F, s6  }
0x5a: {  	s6 =	smul.u32 $0x6, s6;
	_ =	sdelay $0x1  }
0x5b: {  	s5 =	ssub.s32 s5, s6  }
0x5c: {  	s5 =	sand.u32 $0xFF, s5  }
0x5d: {  	s25 =	sadd.s32 $0x1, s5  }
0x5e: {  	_ =	swait.ge [sflag:s25], $0x2000  }
0x5f: {  	s7 =	sadd.s32 $0x4000, s12;
	[sflag:s25] =	ssyncset.done $0x0  }
0x60: {  	s7 =	sshrl.u32 s7, $0x3;
	[sflag:s25] =	ssyncadd.s32 $0xFFFFE000;
	s25 =	sshll.u32 s5, $0xD  }
0x61: {  	s7 =	sadd.s32 s4, s7;
	s5 =	sadd.s32 $0x7, s5;
	s6 =	sadd.s32 $0x6400, s25  }
0x62: {  	[hbm4b:s7+s15] =	stream.strided.scatter [tilespmem:s6], [sflag:s5], $0x2000, s14, s15, $0x38;
	[tilespmem:$0x12400] =	vst v63  }
.LBB2_6:
0x63: {  	p0 =	slt.u32 s23, $0xC6  }
.Ltmp3:
0x64: {  	_ = 	snop;
	(pc) =	sbr.rel @!p0 .LBB2_7-.Ltmp3, $3  }
0x65: {  	_ =	sdelay $0x1  }
0x66: {  	s5 =	sadd.s32 $0x2, s23;
	s21 =	sadd.s32 $0x100, s21;
	s19 =	sadd.s32 $0x4000, s19  }
0x67: {  	s2 =	sadd.s32 $0x2, s2;
	s12 =	sadd.s32 $0x8000, s12;
	s23 =	smov.u32 s5  }
.LBB2_2:
0x68: {  	s25 =	smul.u32 $0xAB, s23;
	_ =	sdelay $0x1  }
0x69: {  	p0 =	slt.u32 s23, $0x6;
	s5 =	sshrl.u32 s25, $0xA  }
.Ltmp4:
0x6a: {  	s5 =	sand.u32 $0x3F, s5;
	(pc) =	sbr.rel @!p0 .LBB2_3-.Ltmp4, $3  }
0x6b: {  	s5 =	smul.u32 $0x6, s5;
	_ =	sdelay $0x1  }
0x6c: {  	s5 =	ssub.s32 s23, s5  }
0x6d: {  	s5 =	sand.u32 $0xFF, s5  }
0x6e: {  	p0 =	slt.u32 s23, $0x4  }
.Ltmp5:
0x6f: {  	s6 =	sshll.u32 s5, $0xD;
	(pc) =	sbr.rel @p0 .LBB2_6-.Ltmp5, $4  }
.Ltmp6:
0x70: {  	s7 =	sadd.s32 $0x1, s5;
	s6 =	sadd.s32 $0x6400, s6;
	(pc) =	sbr.rel @!p0 .LBB2_5-.Ltmp6, $4  }
0x71: {  	[tilespmem:s6], [sflag:s7] =	stream.indirect.gather [hbm4b:s3+s14], $0x40, s21, s14, $0xb8;
	[tilespmem:$0x12400] =	vst v63  }
0x72: {  	s25 =	sadd.s32 $0x80, s21  }
0x73: {  	[tilespmem:s19], [sflag:s2] =	stream.indirect.gather [hbm4b:s3+s14], $0x40, s25, s14, $0xb8;
	[tilespmem:$0x12400] =	vst v63  }
0x74: {  	_ = 	snop  }
.LBB2_8:
0x75: {  	_ =	sfence.sel $0x180000  }
0x76: {  	[bflag:$0x0] =	sbarrier.arrive $0xFFFF  }
0x77: {  	_ =	strace $0x90000047  }
0x78: {  	s0 =	stileid.u32;
	[bflag:$0x2] =	sbarrier.arrive $0xFFFF  }
0x79: {  	p0 =	sne.s32 s0, $0x0;
	s0 =	rddreg [dreg:$0x2]  }
0x7a: {  	s0 =	sadd.s32 @!p0 $0x100000, s0  }
0x7b: {  	[sflag:s0] =	ssyncadd.tile.s32 @!p0 $0x1;
	_ =	shalt  }
.Lfunc_end2:
_tile_overlayer_lowered:
.L_overlay_start_2:
0x7c: {  	(tag) =	ssettag $0x2  }
0x7d: {  	s0 =	rddreg [dreg:$0x0];
	s2 =	stileid.u32  }
0x7e: {  	s1 =	rddreg [dreg:$0x1];
	p0 =	sne.s32 s2, $0x0  }
0x7f: {  	s3 =	rddreg [dreg:$0x2];
	[bflag:$0x3] =	sbarrier.arrive $0xFFFF;
	s2 =	simm.s32 @!p0 $0x1C0D  }
0x80: {  	[timem:s3], [sflag:s2] =	dma.local @!p0 [hbm:s0], s1  }
0x81: {  	s0 =	simm.s32 @!p0 $0xD  }
0x82: {  	_ =	swait.ge @!p0 [sflag:s0], s1  }
0x83: {  	s1 =	ssub.s32 @!p0 $0x0, s1;
	[sflag:s0] =	ssyncset.done @!p0 $0x0  }
0x84: {  	[sflag:s0] =	ssyncadd.s32 @!p0 s1  }
0x85: {  	[bflag:$0x3] =	sbarrier.arrive $0xFFFF  }
0x86: {  	_ =	shalt  }

// kernel: sparse-core-data-format-call.cloned.1.call-start
scs
called_computation_lowered:
.L_overlay_start_0:
0x0: {  	s2 =	sld [smem:$0x3FD9]  }
0x1: {  	s3 =	sld [smem:$0x3FFE];
	_ =	sdelay $0x1  }
0x2: {  	s1 =	srdreg.scid  }
0x3: {  	s0 =	sand.u32 $0x1, s1  }
0x4: {  	s18 =	sshll.u32 s0, $0xA;
	s2 =	sadd.s32 s3, s2  }
0x5: {  	s2 =	sadd.s32 s2, s18  }
0x6: {  	[smem:$0x3FC6] =	sst s2  }
0x7: {  	_ = 	snop  }
0x8: {  	s2 =	sld [smem:$0x3FD0];
	(tm) =	ssettm $0x1  }
0x9: {  	s19 =	sld [smem:$0x3FFB];
	_ =	sdelay $0x3  }
0xa: {  	_ =	strace s19  }
0xb: {  	s3 =	sld [smem:$0x3FFC];
	_ =	sdelay $0x3  }
0xc: {  	_ =	strace s3  }
0xd: {  	s3 =	sld [smem:$0x3FFD];
	_ =	sdelay $0x3  }
0xe: {  	_ =	strace s3  }
0xf: {  	_ =	strace $0x8FFFFFFF  }
0x10: {  	s20 =	sld [smem:$0x3FDB];
	_ =	sdelay $0x1  }
0x11: {  	s4 =	simm.s32 $_scs_section_size  }
0x12: {  	s5 =	simm.s32 $_size__tile_overlayer_lowered;
	s6 =	simm.s32 $_tile_overlayer_lowered  }
0x13: {  	s23 =	simm.s32 $0x1BFF;
	s22 =	sshll.u32 s6, $0x1;
	s3 =	sadd.s32 s4, s20  }
0x14: {  	s7 =	simm.s32 $0x0;
	s21 =	sshll.u32 s5, $0x1;
	s5 =	sadd.s32 s22, s3  }
0x15: {  	[timem:s7], [sflag:s23] =	dma.local [hbm:s5], s21  }
0x16: {  	_ =	swait.ge [sflag:s23], s21  }
0x17: {  	s4 =	ssub.s32 $0x0, s21;
	[sflag:s23] =	ssyncset.done $0x0  }
0x18: {  	[sflag:s23] =	ssyncadd.s32 s4;
	_ =	sdelay $0x1  }
0x19: {  	s24 =	simm.s32 $0x1B8B  }
0x1a: {  	_ =	swait.ge [sflag:s24], $0x1  }
0x1b: {  	[sflag:s24] =	ssyncset.done $0x0  }
0x1c: {  	s26 =	simm.s32 $0x1B8E;
	s25 =	sld [smem:$0x3FFE];
	[sflag:s24] =	ssyncadd.s32 $0xFFFFFFFF  }
0x1d: {  	s27 =	simm.s32 $execute0_lowered;
	[smem:$0x3FD2] =	sst s26  }
0x1e: {  	s5 =	sshll.u32 s27, $0x1;
	_ =	strace $0x80000049;
	[dreg:$0x1] =	wrdreg $0xFFFFFFFF  }
0x1f: {  	s28 =	simm.s32 $_size_execute0_lowered;
	s3 =	sadd.s32 s3, s5;
	[dreg:$0x0] =	wrdreg $0x0  }
0x20: {  	s5 =	sshll.u32 s28, $0x1;
	[dreg:$0x2] =	wrdreg s3  }
0x21: {  	[dreg:$0x3] =	wrdreg s5  }
0x22: {  	[dreg:$0x4] =	wrdreg $0xC0  }
0x23: {  	_ =	task [dreg:s7], $0x5FFFF  }
0x24: {  	[dreg:$0x1] =	wrdreg $0xFFFFFFFF  }
0x25: {  	[dreg:$0x0] =	wrdreg $0x60  }
0x26: {  	[dreg:$0x2] =	wrdreg s25  }
0x27: {  	[dreg:$0x3] =	wrdreg s2  }
0x28: {  	[dreg:$0x4] =	wrdreg $0x9  }
0x29: {  	_ =	task.clear_ibuf [dreg:s7], $0x5FFFF;
	_ =	strace $0x90000049  }
0x2a: {  	s29 =	simm.s32 $0x9;
	_ =	strace $0x8000004B  }
0x2b: {  	_ =	swait.ge [sflag:s29], $0x1  }
0x2c: {  	[sflag:s29] =	ssyncadd.s32 $0xFFFFFFFF  }
0x2d: {  	_ =	strace $0x9000004B  }
0x2e: {  	_ =	sfence  }
0x2f: {  	s30 =	sld [smem:$0x0];
	_ =	sdelay $0x2  }
0x30: {  	s31 =	sshll.u32 s1, $0xD;
	s1 =	sshrl.u32 s1, $0x2  }
0x31: {  	s3 =	sand.u32 $0x4000, s31;
	s1 =	sadd.s32 s1, s30  }
0x32: {  	s0 =	sor.u32 s3, s0;
	s1 =	sshll.u32 s1, $0x11  }
0x33: {  	s0 =	sor.u32 s1, s0  }
0x34: {  	s0 =	sadd.s32 $0x8F2B, s0  }
0x35: {  	[sflag:s0] =	ssyncadd.remote.s32 $0x1  }
0x36: {  	_ =	sfence.sel $0xFFFF  }
0x37: {  	[dreg:$0x0] =	wrdreg $0xFFFFFFFF;
	(pc) =	sbr.abs _section_cstart, $3  }
0x38: {  	[dreg:$0x1] =	wrdreg $0xFFFFFFFF  }
0x39: {  	_ =	task.clear_ibuf [dreg:s7], $0x2FFFF;
	_ =	strace $0x9FFFFFFF  }
0x3a: {  	(tm) =	ssettm $0x7FFFFFFF  }
0x3b: {  	_ =	shalt  }
tec
execute0_lowered:
.L_overlay_start_1:
0x0: {  	(tag) =	ssettag $0x1  }
0x1: {  	s0 =	srdreg.scid  }
0x2: {  	s1 =	sshll.u32 s0, $0x4  }
0x3: {  	s0 =	stileid.u32;
	s1 =	sand.u32 $0x10, s1  }
0x4: {  	s1 =	sor.u32 s0, s1  }
0x5: {  	s6 =	rddreg [dreg:$0x0];
	s4 =	simm.s32 $0x1;
	s2 =	sshll.u32 s1, $0x7  }
0x6: {  	s7 =	simm.s32 $0x2;
	s12 =	simm.s32 $0x0;
	s1 =	ssub.s32 $0x1000, s2  }
0x7: {  	s8 =	simm.s32 $0x8000;
	s13 =	simm.s32 $0x0;
	s3 =	sand.u32 $0xF80, s1  }
0x8: {  	s9 =	simm.s32 $0x0;
	s5 =	sshrl.u32 s1, $0xC;
	p0 =	sne.s32 s3, $0x0  }
.Ltmp0:
0x9: {  	s1 =	rddreg [dreg:$0x2];
	s4 =	simm.s32 @!p0 $0x0;
	(pc) =	sbr.rel .LBB1_1-.Ltmp0, $4  }
0xa: {  	s11 =	simm.s32 $0x0;
	s3 =	rddreg [dreg:$0x1];
	s5 =	sadd.s32 s4, s5  }
0xb: {  	_ =	strace $0x8000004A;
	s4 =	simm.s32 $0x1;
	s5 =	smul.u32 $0xC8, s5  }
0xc: {  	s6 =	sadd.s32 $0xA00, s6;
	s10 =	smov.u32 s2;
	[sflag:s4] =	ssyncpa.u1 $0x0  }
0xd: {  	p0 =	por $0x0, $0x0;
	[sflag:s7] =	ssyncpa.u1 $0x0;
	s7 =	sor.u32 $0x1, s5  }
.LBB1_4:
0xe: {  	s16 =	sshll.u32 s13, $0x3;
	s17 =	sand.u32 $0x78, s13  }
0xf: {  	s30 =	sand.u32 $0x7E00, s13;
	s12 =	sshll.u32 s12, $0xF;
	s16 =	sand.u32 $0xC00, s16  }
0x10: {  	[tilespmem:s15+$0x810 ss:$0x81] =	vst.msk $0xffff, v2;
	s31 =	sand.u32 $0x7, s13;
	s16 =	sor.u32 s17, s16;
	s17 =	sadd.s32 s3, s30  }
0x11: {  	[tilespmem:s15+$0x1020 ss:$0x81] =	vst.msk $0xffff, v0;
	s13 =	sshll.u32 s31, $0x12;
	s12 =	sadd.s32 s12, s17;
	s16 =	sshrl.u32 s16, $0x3  }
0x12: {  	[tilespmem:s15+$0x0 ss:$0x81] =	vst.msk $0xffff, v1;
	s13 =	sor.u32 $0x400, s13;
	s12 =	sadd.s32 s16, s12  }
0x13: {  	[hbm4b:s12+s13] =	stream.strided.scatter [tilespmem:s14], [sflag:$0x2], $0x2000, s8, s13, $0x20;
	[tilespmem:$0x8080] =	vst v63  }
.LBB1_5:
0x14: {  	s14 =	sadd.s32 $0x1, s9  }
0x15: {  	s12 =	sadd.s32 $0x1000, s10;
	s16 =	smov.u32 s10;
	p2 =	sgt.s32 s14, $0xC7  }
0x16: {  	s16 =	smov.u32 @p2 s12  }
0x17: {  	s14 =	simm.s32 @p2 $0x0;
	p2 =	sgt.s32 s16, $0xFFF  }
0x18: {  	s16 =	smov.u32 @p2 s2;
	p2 =	sne.s32 s11, s7  }
.Ltmp1:
0x19: {  	p1 =	slt.u32 s11, $0x2;
	(pc) =	sbr.rel @!p2 .LBB1_6-.Ltmp1, $4  }
0x1a: {  	s15 =	simm.s32 @!p1 $0x2  }
0x1b: {  	s13 =	smov.u32 s10;
	p0 =	por !p0, !p0;
	_ =	swait.ge @!p1 [sflag:s15], $0x2000  }
0x1c: {  	s12 =	smov.u32 s9;
	[sflag:s15] =	ssyncset.done @!p1 $0x0;
	s9 =	smov.u32 s14  }
0x1d: {  	s11 =	sadd.s32 $0x1, s11;
	[sflag:s15] =	ssyncadd.s32 @!p1 $0xFFFFE000;
	s10 =	smov.u32 s16  }
.LBB1_1:
0x1e: {  	p1 =	sge.u32 s11, s5  }
0x1f: {  	s14 =	sand.u32 @!p1 $0x1FFFFFF, s9  }
0x20: {  	s15 =	smulhi.u32 @!p1 $0x147AE15, s14;
	_ =	sdelay $0x1  }
0x21: {  	s15 =	smul.u32 @!p1 $0xC8, s15  }
0x22: {  	s16 =	sxor.u32 @!p1 $0xFFFFFFFF, s11;
	s17 =	smul.u32 @!p1 $0xC80, s10  }
0x23: {  	s31 =	sadd.s32 $0xFFFFFFFF, s11;
	s16 =	sshll.u32 @!p1 s16, $0xD;
	s14 =	ssub.s32 @!p1 s14, s15  }
0x24: {  	s15 =	sand.u32 @!p1 $0x2000, s16;
	s16 =	sadd.s32 @!p1 s6, s17;
	s14 =	sshll.u32 @!p1 s14, $0x4  }
0x25: {  	s17 =	simm.s32 @!p1 $0x6400;
	s14 =	sadd.s32 @!p1 s14, s16;
	s16 =	simm.s32 @!p1 $0x40  }
0x26: {  	[tilespmem:s15], [sflag:$0x1] =	stream.strided.gather @!p1 [hbm4b:s14+s16], $0x2000, s17, s16, $0x38;
	[tilespmem:$0x8080] =	vst v63  }
0x27: {  	p1 =	sge.u32 s31, s5  }
.Ltmp2:
0x28: {  	_ = 	snop;
	(pc) =	sbr.rel @p1 .LBB1_5-.Ltmp2, $1  }
0x29: {  	_ =	sdelay $0x3  }
0x2a: {  	s14 =	simm.s32 $0x1  }
0x2b: {  	_ =	swait.ge [sflag:s4], $0x2000;
	s14 =	simm.s32 @!p0 $0x0  }
0x2c: {  	[sflag:s4] =	ssyncset.done $0x0;
	s15 =	sshll.u32 s14, $0xD  }
0x2d: {  	[sflag:s4] =	ssyncadd.s32 $0xFFFFE000;
	s18 =	sor.u32 $0x20, s15  }
0x2e: {  	s14 =	smul.u32 $0x8100, s14;
	v3 =	vld [tilespmem:s18+$0x10]  }
0x2f: {  	s30 =	sand.u32 $0x1, s11;
	v2 =	vld [tilespmem:s18+$0xFFFFFFF0]  }
0x30: {  	s15 =	smul.u32 $0x8100, s30;
	s14 =	sshrl.u32 s14, $0x2;
	v0 =	vld [tilespmem:s18+$0x0]  }
0x31: {  	v1 =	vld [tilespmem:s18+$0xFFFFFFE0];
	s16 =	sor.u32 $0x4000, s14  }
0x32: {  	s31 =	sshrl.u32 s15, $0x2;
	s15 =	sadd.s32 $0x0, s16  }
0x33: {  	s17 =	simm.s32 $0x4;
	s18 =	sadd.s32 $0x40, s18;
	s14 =	sor.u32 $0x4000, s31;
	[tilespmem:s15+$0x1830 ss:$0x81] =	vst.msk $0xffff, v3  }
.LBB1_3:
0x34: {  	v3 =	vld [tilespmem:s18+$0x10];
	p1 =	sne.s32 s17, $0x1FC;
	[tilespmem:s15+$0x810 ss:$0x81] =	vst.msk $0xffff, v2;
	s19 =	smov.u32 s17;
	s17 =	sadd.s32 $0x4, s17  }
.Ltmp3:
0x35: {  	v2 =	vld [tilespmem:s18+$0xFFFFFFF0];
	[tilespmem:s15+$0x1020 ss:$0x81] =	vst.msk $0xffff, v0;
	(pc) =	sbr.rel @p1 .LBB1_3-.Ltmp3, $4  }
0x36: {  	v0 =	vld [tilespmem:s18+$0x0];
	[tilespmem:s15+$0x0 ss:$0x81] =	vst.msk $0xffff, v1  }
0x37: {  	s15 =	sshra.s32 s19, $0x2;
	v1 =	vld [tilespmem:s18+$0xFFFFFFE0]  }
0x38: {  	s15 =	sadd.s32 s15, s16  }
0x39: {  	s18 =	sadd.s32 $0x40, s18;
	[tilespmem:s15+$0x1830 ss:$0x81] =	vst.msk $0xffff, v3  }
.Ltmp4:
0x3a: {  	_ = 	snop;
	(pc) =	sbr.rel .LBB1_4-.Ltmp4, $1  }
0x3b: {  	_ =	sdelay $0x3  }
.LBB1_6:
0x3c: {  	_ =	sfence.sel $0x180000  }
0x3d: {  	s2 =	simm.s32 $0x1;
	[bflag:$0x0] =	sbarrier.arrive $0xFFFF  }
0x3e: {  	s31 =	simm.s32 $0x2;
	[sflag:s2] =	ssyncpa.u1 $0x1  }
0x3f: {  	[sflag:s31] =	ssyncpa.u1 $0x1  }
0x40: {  	p0 =	sne.s32 s0, $0x0;
	_ =	strace $0x9000004A  }
0x41: {  	s0 =	sadd.s32 @!p0 $0x100000, s1;
	[bflag:$0x2] =	sbarrier.arrive $0xFFFF  }
0x42: {  	[sflag:s0] =	ssyncadd.tile.s32 @!p0 $0x1;
	_ =	shalt  }
.Lfunc_end1:
_tile_overlayer_lowered:
.L_overlay_start_2:
0x43: {  	(tag) =	ssettag $0x2  }
0x44: {  	s0 =	rddreg [dreg:$0x0];
	s2 =	stileid.u32  }
0x45: {  	s1 =	rddreg [dreg:$0x1];
	p0 =	sne.s32 s2, $0x0  }
0x46: {  	s3 =	rddreg [dreg:$0x2];
	[bflag:$0x3] =	sbarrier.arrive $0xFFFF;
	s2 =	simm.s32 @!p0 $0x1C01  }
0x47: {  	[timem:s3], [sflag:s2] =	dma.local @!p0 [hbm:s0], s1  }
0x48: {  	s0 =	simm.s32 @!p0 $0x1  }
0x49: {  	_ =	swait.ge @!p0 [sflag:s0], s1  }
0x4a: {  	s1 =	ssub.s32 @!p0 $0x0, s1;
	[sflag:s0] =	ssyncset.done @!p0 $0x0  }
0x4b: {  	[sflag:s0] =	ssyncadd.s32 @!p0 s1  }
0x4c: {  	[bflag:$0x3] =	sbarrier.arrive $0xFFFF  }
0x4d: {  	_ =	shalt  }

</sc_bundles>
